<compile_context>
chip_gen: v7x
topology: tpu7x:2x2x1
jax: 0.10.2.dev20260603
libtpu: 0.0.44.dev20260713+nightly
codegen_flags: <defaults>
</compile_context>

<pallas_src>
import functools

import jax
import jax.numpy as jnp
from jax import lax
from jax.experimental import pallas as pl
from jax.experimental.pallas import tpu as pltpu
from jax.experimental.pallas import tpu_sc as plsc

N_DOCS = 8
DOC_LEN = 256
M = DOC_LEN - 1
K = M - 1
TOTAL = N_DOCS * DOC_LEN


DOCS_PER_BLOCK = 4


def _shift_right(a, step):
    z = jnp.zeros(a.shape[:-1] + (step,), jnp.float32)
    return jnp.concatenate([z, a[..., : M - step]], axis=-1)


def _shift_left(a, step):
    z = jnp.zeros(a.shape[:-1] + (step,), jnp.float32)
    return jnp.concatenate([a[..., step:], z], axis=-1)


def _all_shifts(v, shift):
    rows = [v[None, :]]
    for k in range(1, 8):
        rows.append(shift(v[None, :], k))
    a = jnp.concatenate(rows, axis=0)
    for step in (8, 16, 32, 64, 128):
        a = jnp.concatenate([a, shift(a, step)], axis=0)
    return a


def _gate_tc_body(s_ref, fwd_out_ref, bwd_out_ref):
    u = (lax.broadcasted_iota(jnp.int32, (K, K), 0)
         <= lax.broadcasted_iota(jnp.int32, (K, K), 1)).astype(jnp.bfloat16)
    log2e = 1.4426950408889634

    def gate(t, base):
        y = (t - base[None, :]) * (100.0 * log2e) + (5.0 * log2e)
        lsg2 = jnp.minimum(y, 0.0) - jnp.log2(1.0 + jnp.exp2(-jnp.abs(y)))
        h1 = lsg2.astype(jnp.bfloat16)
        h2 = (lsg2 - h1.astype(jnp.float32)).astype(jnp.bfloat16)
        dn = (((0,), (0,)), ((), ()))
        c = (lax.dot_general(h1, u, dn, preferred_element_type=jnp.float32)
             + lax.dot_general(h2, u, dn, preferred_element_type=jnp.float32))
        return jnp.exp2(c)

    for i in range(DOCS_PER_BLOCK):
        s = s_ref[i, 0, :]
        fwd = s[:M]
        bwd = s[1:]
        t_fwd = _all_shifts(fwd, _shift_right)[:K]
        bwd1 = _shift_left(bwd[None, :], 1)[0]
        t_bwd = _all_shifts(bwd1, _shift_left)[:K]
        fwd_out_ref[i] = gate(t_fwd, fwd)
        bwd_out_ref[i] = gate(t_bwd, bwd)


def _gate_tc(s3d, interpret=False):
    nb = N_DOCS // DOCS_PER_BLOCK
    return pl.pallas_call(
        _gate_tc_body,
        grid=(nb,),
        in_specs=[pl.BlockSpec((DOCS_PER_BLOCK, 1, DOC_LEN),
                               lambda d: (d, 0, 0))],
        out_specs=[pl.BlockSpec((DOCS_PER_BLOCK, M, K), lambda d: (d, 0, 0)),
                   pl.BlockSpec((DOCS_PER_BLOCK, M, K), lambda d: (d, 0, 0))],
        out_shape=[jax.ShapeDtypeStruct((N_DOCS, M, K), jnp.float32),
                   jax.ShapeDtypeStruct((N_DOCS, M, K), jnp.float32)],
        interpret=interpret,
    )(s3d)


def _sc_gather(score, rep_idx):
    info = plsc.get_sparse_core_info()
    ncores = 1
    nw = ncores * info.num_subcores
    chunk = TOTAL // nw
    per_doc = nw // N_DOCS
    mesh = plsc.VectorSubcoreMesh(core_axis_name="c", subcore_axis_name="s",
                                  num_cores=ncores)

    @functools.partial(
        pl.kernel, mesh=mesh,
        out_type=jax.ShapeDtypeStruct((N_DOCS, 1, DOC_LEN), jnp.float32),
        compiler_params=pltpu.CompilerParams(needs_layout_passes=False),
        scratch_types=[pltpu.VMEM((chunk,), jnp.int32),
                       pltpu.VMEM((chunk,), jnp.float32),
                       pltpu.SemaphoreType.DMA],
    )
    def k(score_hbm, idx_hbm, out_hbm, idx_v, vals_v, sem):
        wid = lax.axis_index("s") * ncores + lax.axis_index("c")
        doc = wid // per_doc
        q = wid % per_doc
        pltpu.sync_copy(idx_hbm.at[doc, pl.ds(q * chunk, chunk)], idx_v)
        pltpu.async_copy(score_hbm.at[idx_v], vals_v, sem).wait()
        pltpu.sync_copy(vals_v, out_hbm.at[doc, 0, pl.ds(q * chunk, chunk)])

    return k(score, rep_idx)


def kernel(score, rep_srcs, rep_idx):
    del rep_srcs
    s3d = _sc_gather(score, rep_idx)
    return tuple(_gate_tc(s3d))

# --- scband reference (transcript-rebuilt; emitter-appended) ---
"""Pipeline reference for scband-gate-net-55078660604528 (READ-ONLY COPY).

The authoritative reference and input builder live on the scoring server;
editing this copy changes nothing except your own understanding.
"""

import jax, jax.numpy as jnp
import numpy as np

RESOLUTION = 0.1
HARD = False

def setup_inputs(seed: int = 0) -> dict:
    key = jax.random.key(seed)
    k1, k2 = jax.random.split(key)
    score = jax.random.normal(k1, (2048,), dtype=jnp.float32)
    rep_srcs = jax.random.normal(k2, (8, 256), dtype=jnp.float32)
    rep_idx = jnp.arange(8 * 256, dtype=jnp.int32).reshape(8, 256)
    return {"score": score, "rep_srcs": rep_srcs, "rep_idx": rep_idx}

def _compute_gate(s):
    # s: [n] per-document semantic scores, n > 4
    fwd = s[:-1]
    bwd = s[1:]
    m = fwd.shape[0]
    pad_fwd = jnp.concatenate([jnp.zeros((m - 1,), s.dtype), fwd], axis=0)
    pad_bwd = jnp.concatenate([bwd, jnp.zeros((m - 1,), s.dtype)], axis=0)
    js = jnp.arange(m)[:, None]
    ks = jnp.arange(m - 1)[None, :]
    # fwd_score_hat: stack pad_fwd[i:i+m] for i in range(m-1, 0, -1) along dim=1
    fwd_hat = pad_fwd[js + (m - 1) - ks]
    # bwd_score_hat: stack pad_bwd[i:i+m] for i in range(1, m) along dim=1
    bwd_hat = pad_bwd[js + ks + 1]
    if HARD:
        fwd_gate = (jnp.clip((fwd_hat - fwd[:, None]) / RESOLUTION * 2 + 1, -1.0, 1.0) + 1) / 2
        bwd_gate = (jnp.clip((bwd_hat - bwd[:, None]) / RESOLUTION * 2 + 1, -1.0, 1.0) + 1) / 2
    else:
        fwd_gate = jax.nn.sigmoid((fwd_hat - fwd[:, None]) / RESOLUTION * 10 + 5)
        bwd_gate = jax.nn.sigmoid((bwd_hat - bwd[:, None]) / RESOLUTION * 10 + 5)
    fwd_gate = jnp.cumprod(fwd_gate, axis=1)
    bwd_gate = jnp.cumprod(bwd_gate, axis=1)
    return fwd_gate, bwd_gate

def reference(score, rep_srcs, rep_idx):
    # rep_idx: [n_docs, doc_len] token indices into flat score vector
    fwd_list, bwd_list = [], []
    for d in range(rep_idx.shape[0]):
        s = jnp.take(score, rep_idx[d], axis=0)
        fg, bg = _compute_gate(s)
        fwd_list.append(fg)
        bwd_list.append(bg)
    return jnp.stack(fwd_list, axis=0), jnp.stack(bwd_list, axis=0)

if __name__ == "__main__":
    import jax
    _d = setup_inputs()
    print(jax.jit(kernel)(*tuple(_d.values())))

</pallas_src>

<mosaic_0001>
#map = affine_map<(d0, d1) -> (0)>
#map1 = affine_map<(d0, d1) -> (0, 0)>
#map2 = affine_map<(d0, d1) -> (0, 0, 0)>
module attributes {stable_mosaic.version = 14 : i64} {
  func.func @k(%arg0: i32, %arg1: i32, %arg2: memref<2048xf32, #tpu.memory_space<hbm>>, %arg3: memref<8x256xi32, #tpu.memory_space<hbm>>, %arg4: memref<8x1x256xf32, #tpu.memory_space<hbm>>, %arg5: memref<128xi32, #tpu.memory_space<vmem>>, %arg6: memref<128xf32, #tpu.memory_space<vmem>>, %arg7: memref<!tpu.dma_semaphore, #tpu.memory_space<semaphore_mem>>) attributes {dimension_semantics = [#tpu.dimension_semantics<core_parallel>, #tpu.dimension_semantics<subcore_parallel>], iteration_bounds = array<i64: 1, 16>, scalar_prefetch = 0 : i64, scratch_operands = 3 : i64, tpu.core_type = #tpu.core_type<sc_vector_subcore>, window_params = [{transform_indices = #map}, {transform_indices = #map1}, {transform_indices = #map2}]} {
    %mul3A = arith.constant 1 : i32
    %mul3A_0 = arith.muli %arg1, %mul3A : i32
    %add3A = arith.addi %mul3A_0, %arg0 : i32
    %jit3A = arith.constant 2 : i32
    %div3A = arith.divsi %add3A, %jit3A : i32
    %sign3A = arith.constant 0 : i32
    %sign3A_1 = arith.cmpi sgt, %add3A, %sign3A : i32
    %sign3A_2 = arith.extui %sign3A_1 : i1 to i32
    %sign3A_3 = arith.constant 0 : i32
    %sign3A_4 = arith.cmpi slt, %add3A, %sign3A_3 : i32
    %sign3A_5 = arith.extui %sign3A_4 : i1 to i32
    %sign3A_6 = arith.subi %sign3A_2, %sign3A_5 : i32
    %sign3A_7 = arith.constant 0 : i32
    %sign3A_8 = arith.cmpi sgt, %jit3A, %sign3A_7 : i32
    %sign3A_9 = arith.extui %sign3A_8 : i1 to i32
    %sign3A_10 = arith.constant 0 : i32
    %sign3A_11 = arith.cmpi slt, %jit3A, %sign3A_10 : i32
    %sign3A_12 = arith.extui %sign3A_11 : i1 to i32
    %sign3A_13 = arith.subi %sign3A_9, %sign3A_12 : i32
    %ne3A = arith.cmpi ne, %sign3A_6, %sign3A_13 : i32
    %rem3A = arith.remsi %add3A, %jit3A : i32
    %ne3A_14 = arith.constant 0 : i32
    %ne3A_15 = arith.cmpi ne, %rem3A, %ne3A_14 : i32
    %and3A = arith.andi %ne3A, %ne3A_15 : i1
    %sub3A = arith.constant 1 : i32
    %sub3A_16 = arith.subi %div3A, %sub3A : i32
    %select_n3A = arith.select %and3A, %sub3A_16, %div3A : i32
    %jit3A_17 = arith.constant 2 : i32
    %eq3A = arith.constant 0 : i32
    %eq3A_18 = arith.cmpi eq, %jit3A_17, %eq3A : i32
    %jit3A_19 = arith.constant 1 : i32
    %select_n3A_20 = arith.select %eq3A_18, %jit3A_19, %jit3A_17 : i32
    %rem3A_21 = arith.remsi %add3A, %select_n3A_20 : i32
    %ne3A_22 = arith.constant 0 : i32
    %ne3A_23 = arith.cmpi ne, %rem3A_21, %ne3A_22 : i32
    %lt3A = arith.constant 0 : i32
    %lt3A_24 = arith.cmpi slt, %rem3A_21, %lt3A : i32
    %lt3A_25 = arith.constant 0 : i32
    %lt3A_26 = arith.cmpi slt, %select_n3A_20, %lt3A_25 : i32
    %ne3A_27 = arith.xori %lt3A_24, %lt3A_26 : i1
    %and3A_28 = arith.andi %ne3A_27, %ne3A_23 : i1
    %add3A_29 = arith.addi %rem3A_21, %select_n3A_20 : i32
    %select_n3A_30 = arith.select %and3A_28, %add3A_29, %rem3A_21 : i32
    %mul3A_31 = arith.constant 128 : i32
    %mul3A_32 = arith.muli %select_n3A_30, %mul3A_31 : i32
    "tpu.region"() ({
      %run_scoped3A_37 = tpu.sem_alloc : memref<!tpu.dma_semaphore, #tpu.memory_space<semaphore_mem>>
      %dma_start3A_38 = tpu.memref_slice %arg3[%select_n3A, %mul3A_32] : memref<8x256xi32, #tpu.memory_space<hbm>> -> memref<1x128xi32, #tpu.memory_space<hbm>>
      %dma_start3A_39 = tpu.memref_squeeze %dma_start3A_38 : memref<1x128xi32, #tpu.memory_space<hbm>> -> memref<128xi32, #tpu.memory_space<hbm>>
      %dma_start3A_40 = tpu.memref_slice %arg3[%select_n3A, %mul3A_32] : memref<8x256xi32, #tpu.memory_space<hbm>> -> memref<1x128xi32, #tpu.memory_space<hbm>>
      %dma_start3A_41 = tpu.memref_squeeze %dma_start3A_40 : memref<1x128xi32, #tpu.memory_space<hbm>> -> memref<128xi32, #tpu.memory_space<hbm>>
      tpu.enqueue_dma source(%dma_start3A_41 : memref<128xi32, #tpu.memory_space<hbm>>) target(%arg5 : memref<128xi32, #tpu.memory_space<vmem>>) target_semaphore(%run_scoped3A_37 : memref<!tpu.dma_semaphore, #tpu.memory_space<semaphore_mem>>)
      %dma_wait3A_42 = tpu.memref_slice %arg3[%select_n3A, %mul3A_32] : memref<8x256xi32, #tpu.memory_space<hbm>> -> memref<1x128xi32, #tpu.memory_space<hbm>>
      %dma_wait3A_43 = tpu.memref_squeeze %dma_wait3A_42 : memref<1x128xi32, #tpu.memory_space<hbm>> -> memref<128xi32, #tpu.memory_space<hbm>>
      %dma_wait3A_44 = tpu.memref_slice %arg3[%select_n3A, %mul3A_32] : memref<8x256xi32, #tpu.memory_space<hbm>> -> memref<1x128xi32, #tpu.memory_space<hbm>>
      %dma_wait3A_45 = tpu.memref_squeeze %dma_wait3A_44 : memref<1x128xi32, #tpu.memory_space<hbm>> -> memref<128xi32, #tpu.memory_space<hbm>>
      tpu.wait_dma2 semaphore(%run_scoped3A_37 : memref<!tpu.dma_semaphore, #tpu.memory_space<semaphore_mem>>) src(%dma_wait3A_45 : memref<128xi32, #tpu.memory_space<hbm>>) dst(%arg5 : memref<128xi32, #tpu.memory_space<vmem>>)
      tpu.yield
    }) : () -> ()
    %dma_start3A = arith.constant 0 : i32
    %dma_start3A_33 = tpu.memref_slice %arg2[%dma_start3A] : memref<2048xf32, #tpu.memory_space<hbm>> -> memref<2048xf32, #tpu.memory_space<hbm>>
    tpu.enqueue_indirect_dma source(%dma_start3A_33 : memref<2048xf32, #tpu.memory_space<hbm>>) target(%arg6 : memref<128xf32, #tpu.memory_space<vmem>>) offsets(%arg5 : memref<128xi32, #tpu.memory_space<vmem>>) semaphore(%arg7 : memref<!tpu.dma_semaphore, #tpu.memory_space<semaphore_mem>>)
    %dma_wait3A = arith.constant 0 : i32
    %dma_wait3A_34 = tpu.memref_slice %arg2[%dma_wait3A] : memref<2048xf32, #tpu.memory_space<hbm>> -> memref<2048xf32, #tpu.memory_space<hbm>>
    tpu.wait_indirect_dma semaphore(%arg7 : memref<!tpu.dma_semaphore, #tpu.memory_space<semaphore_mem>>) src(%dma_wait3A_34 : memref<2048xf32, #tpu.memory_space<hbm>>) dst(%arg6 : memref<128xf32, #tpu.memory_space<vmem>>)
    %mul3A_35 = arith.constant 128 : i32
    %mul3A_36 = arith.muli %select_n3A_30, %mul3A_35 : i32
    %run_scoped3A = arith.constant 0 : i32
    "tpu.region"() ({
      %run_scoped3A_37 = tpu.sem_alloc : memref<!tpu.dma_semaphore, #tpu.memory_space<semaphore_mem>>
      %dma_start3A_38 = tpu.memref_slice %arg4[%select_n3A, %run_scoped3A, %mul3A_36] : memref<8x1x256xf32, #tpu.memory_space<hbm>> -> memref<1x1x128xf32, #tpu.memory_space<hbm>>
      %dma_start3A_39 = tpu.memref_squeeze %dma_start3A_38 : memref<1x1x128xf32, #tpu.memory_space<hbm>> -> memref<128xf32, #tpu.memory_space<hbm>>
      %dma_start3A_40 = tpu.memref_slice %arg4[%select_n3A, %run_scoped3A, %mul3A_36] : memref<8x1x256xf32, #tpu.memory_space<hbm>> -> memref<1x1x128xf32, #tpu.memory_space<hbm>>
      %dma_start3A_41 = tpu.memref_squeeze %dma_start3A_40 : memref<1x1x128xf32, #tpu.memory_space<hbm>> -> memref<128xf32, #tpu.memory_space<hbm>>
      tpu.enqueue_dma source(%arg6 : memref<128xf32, #tpu.memory_space<vmem>>) target(%dma_start3A_41 : memref<128xf32, #tpu.memory_space<hbm>>) target_semaphore(%run_scoped3A_37 : memref<!tpu.dma_semaphore, #tpu.memory_space<semaphore_mem>>)
      %dma_wait3A_42 = tpu.memref_slice %arg4[%select_n3A, %run_scoped3A, %mul3A_36] : memref<8x1x256xf32, #tpu.memory_space<hbm>> -> memref<1x1x128xf32, #tpu.memory_space<hbm>>
      %dma_wait3A_43 = tpu.memref_squeeze %dma_wait3A_42 : memref<1x1x128xf32, #tpu.memory_space<hbm>> -> memref<128xf32, #tpu.memory_space<hbm>>
      %dma_wait3A_44 = tpu.memref_slice %arg4[%select_n3A, %run_scoped3A, %mul3A_36] : memref<8x1x256xf32, #tpu.memory_space<hbm>> -> memref<1x1x128xf32, #tpu.memory_space<hbm>>
      %dma_wait3A_45 = tpu.memref_squeeze %dma_wait3A_44 : memref<1x1x128xf32, #tpu.memory_space<hbm>> -> memref<128xf32, #tpu.memory_space<hbm>>
      tpu.wait_dma2 semaphore(%run_scoped3A_37 : memref<!tpu.dma_semaphore, #tpu.memory_space<semaphore_mem>>) src(%arg6 : memref<128xf32, #tpu.memory_space<vmem>>) dst(%dma_wait3A_45 : memref<128xf32, #tpu.memory_space<hbm>>)
      tpu.yield
    }) : () -> ()
    return
  }
}

module attributes {stable_mosaic.version = 14 : i64} {
  func.func @_gate_tc_body(%arg0: i32, %arg1: memref<4x1x256xf32, #tpu.memory_space<vmem>>, %arg2: memref<4x255x254xf32, #tpu.memory_space<vmem>>, %arg3: memref<4x255x254xf32, #tpu.memory_space<vmem>>) attributes {dimension_semantics = [#tpu.dimension_semantics<arbitrary>], iteration_bounds = array<i64: 2>, scalar_prefetch = 0 : i64, scratch_operands = 0 : i64, tpu.core_type = #tpu.core_type<tc>, window_params = [{transform_indices = @transform_0, window_bounds = array<i64: 4, 1, 256>}, {transform_indices = @transform_1, window_bounds = array<i64: 4, 255, 254>}, {transform_indices = @transform_2, window_bounds = array<i64: 4, 255, 254>}]} {
    %iota3A = tpu.iota {dimensions = array<i32: 0>} : vector<254x254xi32>
    %iota3A_0 = tpu.iota {dimensions = array<i32: 1>} : vector<254x254xi32>
    %le3A = arith.cmpi sle, %iota3A, %iota3A_0 : vector<254x254xi32>
    %convert_element_type3A = arith.extui %le3A : vector<254x254xi1> to vector<254x254xi32>
    %convert_element_type3A_1 = arith.sitofp %convert_element_type3A : vector<254x254xi32> to vector<254x254xf32>
    %convert_element_type3A_2 = arith.truncf %convert_element_type3A_1 : vector<254x254xf32> to vector<254x254xbf16>
    %get3A = arith.constant 0 : index
    %get3A_3 = arith.constant 0 : index
    %get3A_4 = arith.constant 0 : index
    %get3A_5 = vector.load %arg1[%get3A, %get3A_3, %get3A_4] : memref<4x1x256xf32, #tpu.memory_space<vmem>>, vector<1x1x256xf32>
    %get3A_6 = vector.shape_cast %get3A_5 : vector<1x1x256xf32> to vector<256xf32>
    %slice3A = vector.extract_strided_slice %get3A_6 {offsets = [0], sizes = [255], strides = [1]} : vector<256xf32> to vector<255xf32>
    %slice3A_7 = vector.extract_strided_slice %get3A_6 {offsets = [1], sizes = [255], strides = [1]} : vector<256xf32> to vector<255xf32>
    %broadcast_in_dim3A = vector.shape_cast %slice3A : vector<255xf32> to vector<1x255xf32>
    %broadcast_in_dim3A_8 = vector.shape_cast %slice3A : vector<255xf32> to vector<1x255xf32>
    %broadcast_in_dim3A_9 = arith.constant 0.000000e+00 : f32
    %broadcast_in_dim3A_10 = vector.broadcast %broadcast_in_dim3A_9 : f32 to vector<1x1xf32>
    %slice3A_11 = vector.extract_strided_slice %broadcast_in_dim3A_8 {offsets = [0, 0], sizes = [1, 254], strides = [1, 1]} : vector<1x255xf32> to vector<1x254xf32>
    %concatenate3A = tpu.concatenate %broadcast_in_dim3A_10, %slice3A_11 in 1 : vector<1x1xf32>, vector<1x254xf32> -> vector<1x255xf32>
    %broadcast_in_dim3A_12 = vector.shape_cast %slice3A : vector<255xf32> to vector<1x255xf32>
    %broadcast_in_dim3A_13 = arith.constant 0.000000e+00 : f32
    %broadcast_in_dim3A_14 = vector.broadcast %broadcast_in_dim3A_13 : f32 to vector<1x2xf32>
    %slice3A_15 = vector.extract_strided_slice %broadcast_in_dim3A_12 {offsets = [0, 0], sizes = [1, 253], strides = [1, 1]} : vector<1x255xf32> to vector<1x253xf32>
    %concatenate3A_16 = tpu.concatenate %broadcast_in_dim3A_14, %slice3A_15 in 1 : vector<1x2xf32>, vector<1x253xf32> -> vector<1x255xf32>
    %broadcast_in_dim3A_17 = vector.shape_cast %slice3A : vector<255xf32> to vector<1x255xf32>
    %broadcast_in_dim3A_18 = arith.constant 0.000000e+00 : f32
    %broadcast_in_dim3A_19 = vector.broadcast %broadcast_in_dim3A_18 : f32 to vector<1x3xf32>
    %slice3A_20 = vector.extract_strided_slice %broadcast_in_dim3A_17 {offsets = [0, 0], sizes = [1, 252], strides = [1, 1]} : vector<1x255xf32> to vector<1x252xf32>
    %concatenate3A_21 = tpu.concatenate %broadcast_in_dim3A_19, %slice3A_20 in 1 : vector<1x3xf32>, vector<1x252xf32> -> vector<1x255xf32>
    %broadcast_in_dim3A_22 = vector.shape_cast %slice3A : vector<255xf32> to vector<1x255xf32>
    %broadcast_in_dim3A_23 = arith.constant 0.000000e+00 : f32
    %broadcast_in_dim3A_24 = vector.broadcast %broadcast_in_dim3A_23 : f32 to vector<1x4xf32>
    %slice3A_25 = vector.extract_strided_slice %broadcast_in_dim3A_22 {offsets = [0, 0], sizes = [1, 251], strides = [1, 1]} : vector<1x255xf32> to vector<1x251xf32>
    %concatenate3A_26 = tpu.concatenate %broadcast_in_dim3A_24, %slice3A_25 in 1 : vector<1x4xf32>, vector<1x251xf32> -> vector<1x255xf32>
    %broadcast_in_dim3A_27 = vector.shape_cast %slice3A : vector<255xf32> to vector<1x255xf32>
    %broadcast_in_dim3A_28 = arith.constant 0.000000e+00 : f32
    %broadcast_in_dim3A_29 = vector.broadcast %broadcast_in_dim3A_28 : f32 to vector<1x5xf32>
    %slice3A_30 = vector.extract_strided_slice %broadcast_in_dim3A_27 {offsets = [0, 0], sizes = [1, 250], strides = [1, 1]} : vector<1x255xf32> to vector<1x250xf32>
    %concatenate3A_31 = tpu.concatenate %broadcast_in_dim3A_29, %slice3A_30 in 1 : vector<1x5xf32>, vector<1x250xf32> -> vector<1x255xf32>
    %broadcast_in_dim3A_32 = vector.shape_cast %slice3A : vector<255xf32> to vector<1x255xf32>
    %broadcast_in_dim3A_33 = arith.constant 0.000000e+00 : f32
    %broadcast_in_dim3A_34 = vector.broadcast %broadcast_in_dim3A_33 : f32 to vector<1x6xf32>
    %slice3A_35 = vector.extract_strided_slice %broadcast_in_dim3A_32 {offsets = [0, 0], sizes = [1, 249], strides = [1, 1]} : vector<1x255xf32> to vector<1x249xf32>
    %concatenate3A_36 = tpu.concatenate %broadcast_in_dim3A_34, %slice3A_35 in 1 : vector<1x6xf32>, vector<1x249xf32> -> vector<1x255xf32>
    %broadcast_in_dim3A_37 = vector.shape_cast %slice3A : vector<255xf32> to vector<1x255xf32>
    %broadcast_in_dim3A_38 = arith.constant 0.000000e+00 : f32
    %broadcast_in_dim3A_39 = vector.broadcast %broadcast_in_dim3A_38 : f32 to vector<1x7xf32>
    %slice3A_40 = vector.extract_strided_slice %broadcast_in_dim3A_37 {offsets = [0, 0], sizes = [1, 248], strides = [1, 1]} : vector<1x255xf32> to vector<1x248xf32>
    %concatenate3A_41 = tpu.concatenate %broadcast_in_dim3A_39, %slice3A_40 in 1 : vector<1x7xf32>, vector<1x248xf32> -> vector<1x255xf32>
    %concatenate3A_42 = tpu.concatenate %broadcast_in_dim3A, %concatenate3A, %concatenate3A_16, %concatenate3A_21, %concatenate3A_26, %concatenate3A_31, %concatenate3A_36, %concatenate3A_41 in 0 : vector<1x255xf32>, vector<1x255xf32>, vector<1x255xf32>, vector<1x255xf32>, vector<1x255xf32>, vector<1x255xf32>, vector<1x255xf32>, vector<1x255xf32> -> vector<8x255xf32>
    %broadcast_in_dim3A_43 = arith.constant 0.000000e+00 : f32
    %broadcast_in_dim3A_44 = vector.broadcast %broadcast_in_dim3A_43 : f32 to vector<8x8xf32>
    %slice3A_45 = vector.extract_strided_slice %concatenate3A_42 {offsets = [0, 0], sizes = [8, 247], strides = [1, 1]} : vector<8x255xf32> to vector<8x247xf32>
    %concatenate3A_46 = tpu.concatenate %broadcast_in_dim3A_44, %slice3A_45 in 1 : vector<8x8xf32>, vector<8x247xf32> -> vector<8x255xf32>
    %concatenate3A_47 = tpu.concatenate %concatenate3A_42, %concatenate3A_46 in 0 : vector<8x255xf32>, vector<8x255xf32> -> vector<16x255xf32>
    %broadcast_in_dim3A_48 = arith.constant 0.000000e+00 : f32
    %broadcast_in_dim3A_49 = vector.broadcast %broadcast_in_dim3A_48 : f32 to vector<16x16xf32>
    %slice3A_50 = vector.extract_strided_slice %concatenate3A_47 {offsets = [0, 0], sizes = [16, 239], strides = [1, 1]} : vector<16x255xf32> to vector<16x239xf32>
    %concatenate3A_51 = tpu.concatenate %broadcast_in_dim3A_49, %slice3A_50 in 1 : vector<16x16xf32>, vector<16x239xf32> -> vector<16x255xf32>
    %concatenate3A_52 = tpu.concatenate %concatenate3A_47, %concatenate3A_51 in 0 : vector<16x255xf32>, vector<16x255xf32> -> vector<32x255xf32>
    %broadcast_in_dim3A_53 = arith.constant 0.000000e+00 : f32
    %broadcast_in_dim3A_54 = vector.broadcast %broadcast_in_dim3A_53 : f32 to vector<32x32xf32>
    %slice3A_55 = vector.extract_strided_slice %concatenate3A_52 {offsets = [0, 0], sizes = [32, 223], strides = [1, 1]} : vector<32x255xf32> to vector<32x223xf32>
    %concatenate3A_56 = tpu.concatenate %broadcast_in_dim3A_54, %slice3A_55 in 1 : vector<32x32xf32>, vector<32x223xf32> -> vector<32x255xf32>
    %concatenate3A_57 = tpu.concatenate %concatenate3A_52, %concatenate3A_56 in 0 : vector<32x255xf32>, vector<32x255xf32> -> vector<64x255xf32>
    %broadcast_in_dim3A_58 = arith.constant 0.000000e+00 : f32
    %broadcast_in_dim3A_59 = vector.broadcast %broadcast_in_dim3A_58 : f32 to vector<64x64xf32>
    %slice3A_60 = vector.extract_strided_slice %concatenate3A_57 {offsets = [0, 0], sizes = [64, 191], strides = [1, 1]} : vector<64x255xf32> to vector<64x191xf32>
    %concatenate3A_61 = tpu.concatenate %broadcast_in_dim3A_59, %slice3A_60 in 1 : vector<64x64xf32>, vector<64x191xf32> -> vector<64x255xf32>
    %concatenate3A_62 = tpu.concatenate %concatenate3A_57, %concatenate3A_61 in 0 : vector<64x255xf32>, vector<64x255xf32> -> vector<128x255xf32>
    %broadcast_in_dim3A_63 = arith.constant 0.000000e+00 : f32
    %broadcast_in_dim3A_64 = vector.broadcast %broadcast_in_dim3A_63 : f32 to vector<128x128xf32>
    %slice3A_65 = vector.extract_strided_slice %concatenate3A_62 {offsets = [0, 0], sizes = [128, 127], strides = [1, 1]} : vector<128x255xf32> to vector<128x127xf32>
    %concatenate3A_66 = tpu.concatenate %broadcast_in_dim3A_64, %slice3A_65 in 1 : vector<128x128xf32>, vector<128x127xf32> -> vector<128x255xf32>
    %concatenate3A_67 = tpu.concatenate %concatenate3A_62, %concatenate3A_66 in 0 : vector<128x255xf32>, vector<128x255xf32> -> vector<256x255xf32>
    %slice3A_68 = vector.extract_strided_slice %concatenate3A_67 {offsets = [0, 0], sizes = [254, 255], strides = [1, 1]} : vector<256x255xf32> to vector<254x255xf32>
    %broadcast_in_dim3A_69 = vector.shape_cast %slice3A_7 : vector<255xf32> to vector<1x255xf32>
    %broadcast_in_dim3A_70 = arith.constant 0.000000e+00 : f32
    %broadcast_in_dim3A_71 = vector.broadcast %broadcast_in_dim3A_70 : f32 to vector<1x1xf32>
    %slice3A_72 = vector.extract_strided_slice %broadcast_in_dim3A_69 {offsets = [0, 1], sizes = [1, 254], strides = [1, 1]} : vector<1x255xf32> to vector<1x254xf32>
    %concatenate3A_73 = tpu.concatenate %slice3A_72, %broadcast_in_dim3A_71 in 1 : vector<1x254xf32>, vector<1x1xf32> -> vector<1x255xf32>
    %squeeze3A = vector.shape_cast %concatenate3A_73 : vector<1x255xf32> to vector<255xf32>
    %broadcast_in_dim3A_74 = vector.shape_cast %squeeze3A : vector<255xf32> to vector<1x255xf32>
    %broadcast_in_dim3A_75 = vector.shape_cast %squeeze3A : vector<255xf32> to vector<1x255xf32>
    %broadcast_in_dim3A_76 = arith.constant 0.000000e+00 : f32
    %broadcast_in_dim3A_77 = vector.broadcast %broadcast_in_dim3A_76 : f32 to vector<1x1xf32>
    %slice3A_78 = vector.extract_strided_slice %broadcast_in_dim3A_75 {offsets = [0, 1], sizes = [1, 254], strides = [1, 1]} : vector<1x255xf32> to vector<1x254xf32>
    %concatenate3A_79 = tpu.concatenate %slice3A_78, %broadcast_in_dim3A_77 in 1 : vector<1x254xf32>, vector<1x1xf32> -> vector<1x255xf32>
    %broadcast_in_dim3A_80 = vector.shape_cast %squeeze3A : vector<255xf32> to vector<1x255xf32>
    %broadcast_in_dim3A_81 = arith.constant 0.000000e+00 : f32
    %broadcast_in_dim3A_82 = vector.broadcast %broadcast_in_dim3A_81 : f32 to vector<1x2xf32>
    %slice3A_83 = vector.extract_strided_slice %broadcast_in_dim3A_80 {offsets = [0, 2], sizes = [1, 253], strides = [1, 1]} : vector<1x255xf32> to vector<1x253xf32>
    %concatenate3A_84 = tpu.concatenate %slice3A_83, %broadcast_in_dim3A_82 in 1 : vector<1x253xf32>, vector<1x2xf32> -> vector<1x255xf32>
    %broadcast_in_dim3A_85 = vector.shape_cast %squeeze3A : vector<255xf32> to vector<1x255xf32>
    %broadcast_in_dim3A_86 = arith.constant 0.000000e+00 : f32
    %broadcast_in_dim3A_87 = vector.broadcast %broadcast_in_dim3A_86 : f32 to vector<1x3xf32>
    %slice3A_88 = vector.extract_strided_slice %broadcast_in_dim3A_85 {offsets = [0, 3], sizes = [1, 252], strides = [1, 1]} : vector<1x255xf32> to vector<1x252xf32>
    %concatenate3A_89 = tpu.concatenate %slice3A_88, %broadcast_in_dim3A_87 in 1 : vector<1x252xf32>, vector<1x3xf32> -> vector<1x255xf32>
    %broadcast_in_dim3A_90 = vector.shape_cast %squeeze3A : vector<255xf32> to vector<1x255xf32>
    %broadcast_in_dim3A_91 = arith.constant 0.000000e+00 : f32
    %broadcast_in_dim3A_92 = vector.broadcast %broadcast_in_dim3A_91 : f32 to vector<1x4xf32>
    %slice3A_93 = vector.extract_strided_slice %broadcast_in_dim3A_90 {offsets = [0, 4], sizes = [1, 251], strides = [1, 1]} : vector<1x255xf32> to vector<1x251xf32>
    %concatenate3A_94 = tpu.concatenate %slice3A_93, %broadcast_in_dim3A_92 in 1 : vector<1x251xf32>, vector<1x4xf32> -> vector<1x255xf32>
    %broadcast_in_dim3A_95 = vector.shape_cast %squeeze3A : vector<255xf32> to vector<1x255xf32>
    %broadcast_in_dim3A_96 = arith.constant 0.000000e+00 : f32
    %broadcast_in_dim3A_97 = vector.broadcast %broadcast_in_dim3A_96 : f32 to vector<1x5xf32>
    %slice3A_98 = vector.extract_strided_slice %broadcast_in_dim3A_95 {offsets = [0, 5], sizes = [1, 250], strides = [1, 1]} : vector<1x255xf32> to vector<1x250xf32>
    %concatenate3A_99 = tpu.concatenate %slice3A_98, %broadcast_in_dim3A_97 in 1 : vector<1x250xf32>, vector<1x5xf32> -> vector<1x255xf32>
    %broadcast_in_dim3A_100 = vector.shape_cast %squeeze3A : vector<255xf32> to vector<1x255xf32>
    %broadcast_in_dim3A_101 = arith.constant 0.000000e+00 : f32
    %broadcast_in_dim3A_102 = vector.broadcast %broadcast_in_dim3A_101 : f32 to vector<1x6xf32>
    %slice3A_103 = vector.extract_strided_slice %broadcast_in_dim3A_100 {offsets = [0, 6], sizes = [1, 249], strides = [1, 1]} : vector<1x255xf32> to vector<1x249xf32>
    %concatenate3A_104 = tpu.concatenate %slice3A_103, %broadcast_in_dim3A_102 in 1 : vector<1x249xf32>, vector<1x6xf32> -> vector<1x255xf32>
    %broadcast_in_dim3A_105 = vector.shape_cast %squeeze3A : vector<255xf32> to vector<1x255xf32>
    %broadcast_in_dim3A_106 = arith.constant 0.000000e+00 : f32
    %broadcast_in_dim3A_107 = vector.broadcast %broadcast_in_dim3A_106 : f32 to vector<1x7xf32>
    %slice3A_108 = vector.extract_strided_slice %broadcast_in_dim3A_105 {offsets = [0, 7], sizes = [1, 248], strides = [1, 1]} : vector<1x255xf32> to vector<1x248xf32>
    %concatenate3A_109 = tpu.concatenate %slice3A_108, %broadcast_in_dim3A_107 in 1 : vector<1x248xf32>, vector<1x7xf32> -> vector<1x255xf32>
    %concatenate3A_110 = tpu.concatenate %broadcast_in_dim3A_74, %concatenate3A_79, %concatenate3A_84, %concatenate3A_89, %concatenate3A_94, %concatenate3A_99, %concatenate3A_104, %concatenate3A_109 in 0 : vector<1x255xf32>, vector<1x255xf32>, vector<1x255xf32>, vector<1x255xf32>, vector<1x255xf32>, vector<1x255xf32>, vector<1x255xf32>, vector<1x255xf32> -> vector<8x255xf32>
    %broadcast_in_dim3A_111 = arith.constant 0.000000e+00 : f32
    %broadcast_in_dim3A_112 = vector.broadcast %broadcast_in_dim3A_111 : f32 to vector<8x8xf32>
    %slice3A_113 = vector.extract_strided_slice %concatenate3A_110 {offsets = [0, 8], sizes = [8, 247], strides = [1, 1]} : vector<8x255xf32> to vector<8x247xf32>
    %concatenate3A_114 = tpu.concatenate %slice3A_113, %broadcast_in_dim3A_112 in 1 : vector<8x247xf32>, vector<8x8xf32> -> vector<8x255xf32>
    %concatenate3A_115 = tpu.concatenate %concatenate3A_110, %concatenate3A_114 in 0 : vector<8x255xf32>, vector<8x255xf32> -> vector<16x255xf32>
    %broadcast_in_dim3A_116 = arith.constant 0.000000e+00 : f32
    %broadcast_in_dim3A_117 = vector.broadcast %broadcast_in_dim3A_116 : f32 to vector<16x16xf32>
    %slice3A_118 = vector.extract_strided_slice %concatenate3A_115 {offsets = [0, 16], sizes = [16, 239], strides = [1, 1]} : vector<16x255xf32> to vector<16x239xf32>
    %concatenate3A_119 = tpu.concatenate %slice3A_118, %broadcast_in_dim3A_117 in 1 : vector<16x239xf32>, vector<16x16xf32> -> vector<16x255xf32>
    %concatenate3A_120 = tpu.concatenate %concatenate3A_115, %concatenate3A_119 in 0 : vector<16x255xf32>, vector<16x255xf32> -> vector<32x255xf32>
    %broadcast_in_dim3A_121 = arith.constant 0.000000e+00 : f32
    %broadcast_in_dim3A_122 = vector.broadcast %broadcast_in_dim3A_121 : f32 to vector<32x32xf32>
    %slice3A_123 = vector.extract_strided_slice %concatenate3A_120 {offsets = [0, 32], sizes = [32, 223], strides = [1, 1]} : vector<32x255xf32> to vector<32x223xf32>
    %concatenate3A_124 = tpu.concatenate %slice3A_123, %broadcast_in_dim3A_122 in 1 : vector<32x223xf32>, vector<32x32xf32> -> vector<32x255xf32>
    %concatenate3A_125 = tpu.concatenate %concatenate3A_120, %concatenate3A_124 in 0 : vector<32x255xf32>, vector<32x255xf32> -> vector<64x255xf32>
    %broadcast_in_dim3A_126 = arith.constant 0.000000e+00 : f32
    %broadcast_in_dim3A_127 = vector.broadcast %broadcast_in_dim3A_126 : f32 to vector<64x64xf32>
    %slice3A_128 = vector.extract_strided_slice %concatenate3A_125 {offsets = [0, 64], sizes = [64, 191], strides = [1, 1]} : vector<64x255xf32> to vector<64x191xf32>
    %concatenate3A_129 = tpu.concatenate %slice3A_128, %broadcast_in_dim3A_127 in 1 : vector<64x191xf32>, vector<64x64xf32> -> vector<64x255xf32>
    %concatenate3A_130 = tpu.concatenate %concatenate3A_125, %concatenate3A_129 in 0 : vector<64x255xf32>, vector<64x255xf32> -> vector<128x255xf32>
    %broadcast_in_dim3A_131 = arith.constant 0.000000e+00 : f32
    %broadcast_in_dim3A_132 = vector.broadcast %broadcast_in_dim3A_131 : f32 to vector<128x128xf32>
    %slice3A_133 = vector.extract_strided_slice %concatenate3A_130 {offsets = [0, 128], sizes = [128, 127], strides = [1, 1]} : vector<128x255xf32> to vector<128x127xf32>
    %concatenate3A_134 = tpu.concatenate %slice3A_133, %broadcast_in_dim3A_132 in 1 : vector<128x127xf32>, vector<128x128xf32> -> vector<128x255xf32>
    %concatenate3A_135 = tpu.concatenate %concatenate3A_130, %concatenate3A_134 in 0 : vector<128x255xf32>, vector<128x255xf32> -> vector<256x255xf32>
    %slice3A_136 = vector.extract_strided_slice %concatenate3A_135 {offsets = [0, 0], sizes = [254, 255], strides = [1, 1]} : vector<256x255xf32> to vector<254x255xf32>
    %broadcast_in_dim3A_137 = vector.shape_cast %slice3A : vector<255xf32> to vector<1x255xf32>
    %sub3A = vector.broadcast %broadcast_in_dim3A_137 : vector<1x255xf32> to vector<254x255xf32>
    %sub3A_138 = arith.subf %slice3A_68, %sub3A : vector<254x255xf32>
    %mul3A = arith.constant 144.269501 : f32
    %mul3A_139 = vector.broadcast %mul3A : f32 to vector<254x255xf32>
    %mul3A_140 = arith.mulf %sub3A_138, %mul3A_139 : vector<254x255xf32>
    %add3A = arith.constant 7.21347522 : f32
    %add3A_141 = vector.broadcast %add3A : f32 to vector<254x255xf32>
    %add3A_142 = arith.addf %mul3A_140, %add3A_141 : vector<254x255xf32>
    %min3A = arith.constant 0.000000e+00 : f32
    %min3A_143 = vector.broadcast %min3A : f32 to vector<254x255xf32>
    %min3A_144 = arith.minimumf %add3A_142, %min3A_143 : vector<254x255xf32>
    %abs3A = math.absf %add3A_142 : vector<254x255xf32>
    %neg3A = arith.constant 0.000000e+00 : f32
    %neg3A_145 = vector.broadcast %neg3A : f32 to vector<254x255xf32>
    %neg3A_146 = arith.subf %neg3A_145, %abs3A : vector<254x255xf32>
    %exp23A = math.exp2 %neg3A_146 : vector<254x255xf32>
    %add3A_147 = arith.constant 1.000000e+00 : f32
    %add3A_148 = vector.broadcast %add3A_147 : f32 to vector<254x255xf32>
    %add3A_149 = arith.addf %add3A_148, %exp23A : vector<254x255xf32>
    %log3A = math.log %add3A_149 : vector<254x255xf32>
    %log3A_150 = arith.constant 2.000000e+00 : f32
    %log3A_151 = math.log %log3A_150 : f32
    %div3A = vector.broadcast %log3A_151 : f32 to vector<254x255xf32>
    %div3A_152 = arith.divf %log3A, %div3A : vector<254x255xf32>
    %sub3A_153 = arith.subf %min3A_144, %div3A_152 : vector<254x255xf32>
    %convert_element_type3A_154 = arith.truncf %sub3A_153 : vector<254x255xf32> to vector<254x255xbf16>
    %convert_element_type3A_155 = arith.extf %convert_element_type3A_154 : vector<254x255xbf16> to vector<254x255xf32>
    %sub3A_156 = arith.subf %sub3A_153, %convert_element_type3A_155 : vector<254x255xf32>
    %convert_element_type3A_157 = arith.truncf %sub3A_156 : vector<254x255xf32> to vector<254x255xbf16>
    %dot_general3A = arith.constant dense<0.000000e+00> : vector<255x254xf32>
    %dot_general3A_158 = tpu.matmul %convert_element_type3A_154, %convert_element_type3A_2, %dot_general3A {dimension_numbers = #tpu.dot_dimension_numbers<[0], [0], [1], [1], [0, 1, 1, 1], [], []>, transpose_lhs_hint = false} : vector<254x255xbf16>, vector<254x254xbf16>, vector<255x254xf32> -> vector<255x254xf32>
    %dot_general3A_159 = arith.constant dense<0.000000e+00> : vector<255x254xf32>
    %dot_general3A_160 = tpu.matmul %convert_element_type3A_157, %convert_element_type3A_2, %dot_general3A_159 {dimension_numbers = #tpu.dot_dimension_numbers<[0], [0], [1], [1], [0, 1, 1, 1], [], []>, transpose_lhs_hint = false} : vector<254x255xbf16>, vector<254x254xbf16>, vector<255x254xf32> -> vector<255x254xf32>
    %add3A_161 = arith.addf %dot_general3A_158, %dot_general3A_160 : vector<255x254xf32>
    %exp23A_162 = math.exp2 %add3A_161 : vector<255x254xf32>
    %swap3A = arith.constant 0 : index
    %swap3A_163 = arith.constant 0 : index
    %swap3A_164 = arith.constant 0 : index
    %swap3A_165 = vector.load %arg2[%swap3A, %swap3A_163, %swap3A_164] : memref<4x255x254xf32, #tpu.memory_space<vmem>>, vector<1x255x254xf32>
    %swap3A_166 = vector.shape_cast %swap3A_165 : vector<1x255x254xf32> to vector<255x254xf32>
    %swap3A_167 = vector.shape_cast %exp23A_162 : vector<255x254xf32> to vector<1x255x254xf32>
    tpu.vector_store %arg2[%swap3A, %swap3A_163, %swap3A_164], %swap3A_167 {strides = array<i32>} : memref<4x255x254xf32, #tpu.memory_space<vmem>>, vector<1x255x254xf32>,
    %broadcast_in_dim3A_168 = vector.shape_cast %slice3A_7 : vector<255xf32> to vector<1x255xf32>
    %sub3A_169 = vector.broadcast %broadcast_in_dim3A_168 : vector<1x255xf32> to vector<254x255xf32>
    %sub3A_170 = arith.subf %slice3A_136, %sub3A_169 : vector<254x255xf32>
    %mul3A_171 = arith.constant 144.269501 : f32
    %mul3A_172 = vector.broadcast %mul3A_171 : f32 to vector<254x255xf32>
    %mul3A_173 = arith.mulf %sub3A_170, %mul3A_172 : vector<254x255xf32>
    %add3A_174 = arith.constant 7.21347522 : f32
    %add3A_175 = vector.broadcast %add3A_174 : f32 to vector<254x255xf32>
    %add3A_176 = arith.addf %mul3A_173, %add3A_175 : vector<254x255xf32>
    %min3A_177 = arith.constant 0.000000e+00 : f32
    %min3A_178 = vector.broadcast %min3A_177 : f32 to vector<254x255xf32>
    %min3A_179 = arith.minimumf %add3A_176, %min3A_178 : vector<254x255xf32>
    %abs3A_180 = math.absf %add3A_176 : vector<254x255xf32>
    %neg3A_181 = arith.constant 0.000000e+00 : f32
    %neg3A_182 = vector.broadcast %neg3A_181 : f32 to vector<254x255xf32>
    %neg3A_183 = arith.subf %neg3A_182, %abs3A_180 : vector<254x255xf32>
    %exp23A_184 = math.exp2 %neg3A_183 : vector<254x255xf32>
    %add3A_185 = arith.constant 1.000000e+00 : f32
    %add3A_186 = vector.broadcast %add3A_185 : f32 to vector<254x255xf32>
    %add3A_187 = arith.addf %add3A_186, %exp23A_184 : vector<254x255xf32>
    %log3A_188 = math.log %add3A_187 : vector<254x255xf32>
    %log3A_189 = arith.constant 2.000000e+00 : f32
    %log3A_190 = math.log %log3A_189 : f32
    %div3A_191 = vector.broadcast %log3A_190 : f32 to vector<254x255xf32>
    %div3A_192 = arith.divf %log3A_188, %div3A_191 : vector<254x255xf32>
    %sub3A_193 = arith.subf %min3A_179, %div3A_192 : vector<254x255xf32>
    %convert_element_type3A_194 = arith.truncf %sub3A_193 : vector<254x255xf32> to vector<254x255xbf16>
    %convert_element_type3A_195 = arith.extf %convert_element_type3A_194 : vector<254x255xbf16> to vector<254x255xf32>
    %sub3A_196 = arith.subf %sub3A_193, %convert_element_type3A_195 : vector<254x255xf32>
    %convert_element_type3A_197 = arith.truncf %sub3A_196 : vector<254x255xf32> to vector<254x255xbf16>
    %dot_general3A_198 = arith.constant dense<0.000000e+00> : vector<255x254xf32>
    %dot_general3A_199 = tpu.matmul %convert_element_type3A_194, %convert_element_type3A_2, %dot_general3A_198 {dimension_numbers = #tpu.dot_dimension_numbers<[0], [0], [1], [1], [0, 1, 1, 1], [], []>, transpose_lhs_hint = false} : vector<254x255xbf16>, vector<254x254xbf16>, vector<255x254xf32> -> vector<255x254xf32>
    %dot_general3A_200 = arith.constant dense<0.000000e+00> : vector<255x254xf32>
    %dot_general3A_201 = tpu.matmul %convert_element_type3A_197, %convert_element_type3A_2, %dot_general3A_200 {dimension_numbers = #tpu.dot_dimension_numbers<[0], [0], [1], [1], [0, 1, 1, 1], [], []>, transpose_lhs_hint = false} : vector<254x255xbf16>, vector<254x254xbf16>, vector<255x254xf32> -> vector<255x254xf32>
    %add3A_202 = arith.addf %dot_general3A_199, %dot_general3A_201 : vector<255x254xf32>
    %exp23A_203 = math.exp2 %add3A_202 : vector<255x254xf32>
    %swap3A_204 = arith.constant 0 : index
    %swap3A_205 = arith.constant 0 : index
    %swap3A_206 = arith.constant 0 : index
    %swap3A_207 = vector.load %arg3[%swap3A_204, %swap3A_205, %swap3A_206] : memref<4x255x254xf32, #tpu.memory_space<vmem>>, vector<1x255x254xf32>
    %swap3A_208 = vector.shape_cast %swap3A_207 : vector<1x255x254xf32> to vector<255x254xf32>
    %swap3A_209 = vector.shape_cast %exp23A_203 : vector<255x254xf32> to vector<1x255x254xf32>
    tpu.vector_store %arg3[%swap3A_204, %swap3A_205, %swap3A_206], %swap3A_209 {strides = array<i32>} : memref<4x255x254xf32, #tpu.memory_space<vmem>>, vector<1x255x254xf32>,
    %get3A_210 = arith.constant 1 : index
    %get3A_211 = arith.constant 0 : index
    %get3A_212 = arith.constant 0 : index
    %get3A_213 = vector.load %arg1[%get3A_210, %get3A_211, %get3A_212] : memref<4x1x256xf32, #tpu.memory_space<vmem>>, vector<1x1x256xf32>
    %get3A_214 = vector.shape_cast %get3A_213 : vector<1x1x256xf32> to vector<256xf32>
    %slice3A_215 = vector.extract_strided_slice %get3A_214 {offsets = [0], sizes = [255], strides = [1]} : vector<256xf32> to vector<255xf32>
    %slice3A_216 = vector.extract_strided_slice %get3A_214 {offsets = [1], sizes = [255], strides = [1]} : vector<256xf32> to vector<255xf32>
    %broadcast_in_dim3A_217 = vector.shape_cast %slice3A_215 : vector<255xf32> to vector<1x255xf32>
    %broadcast_in_dim3A_218 = vector.shape_cast %slice3A_215 : vector<255xf32> to vector<1x255xf32>
    %broadcast_in_dim3A_219 = arith.constant 0.000000e+00 : f32
    %broadcast_in_dim3A_220 = vector.broadcast %broadcast_in_dim3A_219 : f32 to vector<1x1xf32>
    %slice3A_221 = vector.extract_strided_slice %broadcast_in_dim3A_218 {offsets = [0, 0], sizes = [1, 254], strides = [1, 1]} : vector<1x255xf32> to vector<1x254xf32>
    %concatenate3A_222 = tpu.concatenate %broadcast_in_dim3A_220, %slice3A_221 in 1 : vector<1x1xf32>, vector<1x254xf32> -> vector<1x255xf32>
    %broadcast_in_dim3A_223 = vector.shape_cast %slice3A_215 : vector<255xf32> to vector<1x255xf32>
    %broadcast_in_dim3A_224 = arith.constant 0.000000e+00 : f32
    %broadcast_in_dim3A_225 = vector.broadcast %broadcast_in_dim3A_224 : f32 to vector<1x2xf32>
    %slice3A_226 = vector.extract_strided_slice %broadcast_in_dim3A_223 {offsets = [0, 0], sizes = [1, 253], strides = [1, 1]} : vector<1x255xf32> to vector<1x253xf32>
    %concatenate3A_227 = tpu.concatenate %broadcast_in_dim3A_225, %slice3A_226 in 1 : vector<1x2xf32>, vector<1x253xf32> -> vector<1x255xf32>
    %broadcast_in_dim3A_228 = vector.shape_cast %slice3A_215 : vector<255xf32> to vector<1x255xf32>
    %broadcast_in_dim3A_229 = arith.constant 0.000000e+00 : f32
    %broadcast_in_dim3A_230 = vector.broadcast %broadcast_in_dim3A_229 : f32 to vector<1x3xf32>
    %slice3A_231 = vector.extract_strided_slice %broadcast_in_dim3A_228 {offsets = [0, 0], sizes = [1, 252], strides = [1, 1]} : vector<1x255xf32> to vector<1x252xf32>
    %concatenate3A_232 = tpu.concatenate %broadcast_in_dim3A_230, %slice3A_231 in 1 : vector<1x3xf32>, vector<1x252xf32> -> vector<1x255xf32>
    %broadcast_in_dim3A_233 = vector.shape_cast %slice3A_215 : vector<255xf32> to vector<1x255xf32>
    %broadcast_in_dim3A_234 = arith.constant 0.000000e+00 : f32
    %broadcast_in_dim3A_235 = vector.broadcast %broadcast_in_dim3A_234 : f32 to vector<1x4xf32>
    %slice3A_236 = vector.extract_strided_slice %broadcast_in_dim3A_233 {offsets = [0, 0], sizes = [1, 251], strides = [1, 1]} : vector<1x255xf32> to vector<1x251xf32>
    %concatenate3A_237 = tpu.concatenate %broadcast_in_dim3A_235, %slice3A_236 in 1 : vector<1x4xf32>, vector<1x251xf32> -> vector<1x255xf32>
    %broadcast_in_dim3A_238 = vector.shape_cast %slice3A_215 : vector<255xf32> to vector<1x255xf32>
    %broadcast_in_dim3A_239 = arith.constant 0.000000e+00 : f32
    %broadcast_in_dim3A_240 = vector.broadcast %broadcast_in_dim3A_239 : f32 to vector<1x5xf32>
    %slice3A_241 = vector.extract_strided_slice %broadcast_in_dim3A_238 {offsets = [0, 0], sizes = [1, 250], strides = [1, 1]} : vector<1x255xf32> to vector<1x250xf32>
    %concatenate3A_242 = tpu.concatenate %broadcast_in_dim3A_240, %slice3A_241 in 1 : vector<1x5xf32>, vector<1x250xf32> -> vector<1x255xf32>
    %broadcast_in_dim3A_243 = vector.shape_cast %slice3A_215 : vector<255xf32> to vector<1x255xf32>
    %broadcast_in_dim3A_244 = arith.constant 0.000000e+00 : f32
    %broadcast_in_dim3A_245 = vector.broadcast %broadcast_in_dim3A_244 : f32 to vector<1x6xf32>
    %slice3A_246 = vector.extract_strided_slice %broadcast_in_dim3A_243 {offsets = [0, 0], sizes = [1, 249], strides = [1, 1]} : vector<1x255xf32> to vector<1x249xf32>
    %concatenate3A_247 = tpu.concatenate %broadcast_in_dim3A_245, %slice3A_246 in 1 : vector<1x6xf32>, vector<1x249xf32> -> vector<1x255xf32>
    %broadcast_in_dim3A_248 = vector.shape_cast %slice3A_215 : vector<255xf32> to vector<1x255xf32>
    %broadcast_in_dim3A_249 = arith.constant 0.000000e+00 : f32
    %broadcast_in_dim3A_250 = vector.broadcast %broadcast_in_dim3A_249 : f32 to vector<1x7xf32>
    %slice3A_251 = vector.extract_strided_slice %broadcast_in_dim3A_248 {offsets = [0, 0], sizes = [1, 248], strides = [1, 1]} : vector<1x255xf32> to vector<1x248xf32>
    %concatenate3A_252 = tpu.concatenate %broadcast_in_dim3A_250, %slice3A_251 in 1 : vector<1x7xf32>, vector<1x248xf32> -> vector<1x255xf32>
    %concatenate3A_253 = tpu.concatenate %broadcast_in_dim3A_217, %concatenate3A_222, %concatenate3A_227, %concatenate3A_232, %concatenate3A_237, %concatenate3A_242, %concatenate3A_247, %concatenate3A_252 in 0 : vector<1x255xf32>, vector<1x255xf32>, vector<1x255xf32>, vector<1x255xf32>, vector<1x255xf32>, vector<1x255xf32>, vector<1x255xf32>, vector<1x255xf32> -> vector<8x255xf32>
    %broadcast_in_dim3A_254 = arith.constant 0.000000e+00 : f32
    %broadcast_in_dim3A_255 = vector.broadcast %broadcast_in_dim3A_254 : f32 to vector<8x8xf32>
    %slice3A_256 = vector.extract_strided_slice %concatenate3A_253 {offsets = [0, 0], sizes = [8, 247], strides = [1, 1]} : vector<8x255xf32> to vector<8x247xf32>
    %concatenate3A_257 = tpu.concatenate %broadcast_in_dim3A_255, %slice3A_256 in 1 : vector<8x8xf32>, vector<8x247xf32> -> vector<8x255xf32>
    %concatenate3A_258 = tpu.concatenate %concatenate3A_253, %concatenate3A_257 in 0 : vector<8x255xf32>, vector<8x255xf32> -> vector<16x255xf32>
    %broadcast_in_dim3A_259 = arith.constant 0.000000e+00 : f32
    %broadcast_in_dim3A_260 = vector.broadcast %broadcast_in_dim3A_259 : f32 to vector<16x16xf32>
    %slice3A_261 = vector.extract_strided_slice %concatenate3A_258 {offsets = [0, 0], sizes = [16, 239], strides = [1, 1]} : vector<16x255xf32> to vector<16x239xf32>
    %concatenate3A_262 = tpu.concatenate %broadcast_in_dim3A_260, %slice3A_261 in 1 : vector<16x16xf32>, vector<16x239xf32> -> vector<16x255xf32>
    %concatenate3A_263 = tpu.concatenate %concatenate3A_258, %concatenate3A_262 in 0 : vector<16x255xf32>, vector<16x255xf32> -> vector<32x255xf32>
    %broadcast_in_dim3A_264 = arith.constant 0.000000e+00 : f32
    %broadcast_in_dim3A_265 = vector.broadcast %broadcast_in_dim3A_264 : f32 to vector<32x32xf32>
    %slice3A_266 = vector.extract_strided_slice %concatenate3A_263 {offsets = [0, 0], sizes = [32, 223], strides = [1, 1]} : vector<32x255xf32> to vector<32x223xf32>
    %concatenate3A_267 = tpu.concatenate %broadcast_in_dim3A_265, %slice3A_266 in 1 : vector<32x32xf32>, vector<32x223xf32> -> vector<32x255xf32>
    %concatenate3A_268 = tpu.concatenate %concatenate3A_263, %concatenate3A_267 in 0 : vector<32x255xf32>, vector<32x255xf32> -> vector<64x255xf32>
    %broadcast_in_dim3A_269 = arith.constant 0.000000e+00 : f32
    %broadcast_in_dim3A_270 = vector.broadcast %broadcast_in_dim3A_269 : f32 to vector<64x64xf32>
    %slice3A_271 = vector.extract_strided_slice %concatenate3A_268 {offsets = [0, 0], sizes = [64, 191], strides = [1, 1]} : vector<64x255xf32> to vector<64x191xf32>
    %concatenate3A_272 = tpu.concatenate %broadcast_in_dim3A_270, %slice3A_271 in 1 : vector<64x64xf32>, vector<64x191xf32> -> vector<64x255xf32>
    %concatenate3A_273 = tpu.concatenate %concatenate3A_268, %concatenate3A_272 in 0 : vector<64x255xf32>, vector<64x255xf32> -> vector<128x255xf32>
    %broadcast_in_dim3A_274 = arith.constant 0.000000e+00 : f32
    %broadcast_in_dim3A_275 = vector.broadcast %broadcast_in_dim3A_274 : f32 to vector<128x128xf32>
    %slice3A_276 = vector.extract_strided_slice %concatenate3A_273 {offsets = [0, 0], sizes = [128, 127], strides = [1, 1]} : vector<128x255xf32> to vector<128x127xf32>
    %concatenate3A_277 = tpu.concatenate %broadcast_in_dim3A_275, %slice3A_276 in 1 : vector<128x128xf32>, vector<128x127xf32> -> vector<128x255xf32>
    %concatenate3A_278 = tpu.concatenate %concatenate3A_273, %concatenate3A_277 in 0 : vector<128x255xf32>, vector<128x255xf32> -> vector<256x255xf32>
    %slice3A_279 = vector.extract_strided_slice %concatenate3A_278 {offsets = [0, 0], sizes = [254, 255], strides = [1, 1]} : vector<256x255xf32> to vector<254x255xf32>
    %broadcast_in_dim3A_280 = vector.shape_cast %slice3A_216 : vector<255xf32> to vector<1x255xf32>
    %broadcast_in_dim3A_281 = arith.constant 0.000000e+00 : f32
    %broadcast_in_dim3A_282 = vector.broadcast %broadcast_in_dim3A_281 : f32 to vector<1x1xf32>
    %slice3A_283 = vector.extract_strided_slice %broadcast_in_dim3A_280 {offsets = [0, 1], sizes = [1, 254], strides = [1, 1]} : vector<1x255xf32> to vector<1x254xf32>
    %concatenate3A_284 = tpu.concatenate %slice3A_283, %broadcast_in_dim3A_282 in 1 : vector<1x254xf32>, vector<1x1xf32> -> vector<1x255xf32>
    %squeeze3A_285 = vector.shape_cast %concatenate3A_284 : vector<1x255xf32> to vector<255xf32>
    %broadcast_in_dim3A_286 = vector.shape_cast %squeeze3A_285 : vector<255xf32> to vector<1x255xf32>
    %broadcast_in_dim3A_287 = vector.shape_cast %squeeze3A_285 : vector<255xf32> to vector<1x255xf32>
    %broadcast_in_dim3A_288 = arith.constant 0.000000e+00 : f32
    %broadcast_in_dim3A_289 = vector.broadcast %broadcast_in_dim3A_288 : f32 to vector<1x1xf32>
    %slice3A_290 = vector.extract_strided_slice %broadcast_in_dim3A_287 {offsets = [0, 1], sizes = [1, 254], strides = [1, 1]} : vector<1x255xf32> to vector<1x254xf32>
    %concatenate3A_291 = tpu.concatenate %slice3A_290, %broadcast_in_dim3A_289 in 1 : vector<1x254xf32>, vector<1x1xf32> -> vector<1x255xf32>
    %broadcast_in_dim3A_292 = vector.shape_cast %squeeze3A_285 : vector<255xf32> to vector<1x255xf32>
    %broadcast_in_dim3A_293 = arith.constant 0.000000e+00 : f32
    %broadcast_in_dim3A_294 = vector.broadcast %broadcast_in_dim3A_293 : f32 to vector<1x2xf32>
    %slice3A_295 = vector.extract_strided_slice %broadcast_in_dim3A_292 {offsets = [0, 2], sizes = [1, 253], strides = [1, 1]} : vector<1x255xf32> to vector<1x253xf32>
    %concatenate3A_296 = tpu.concatenate %slice3A_295, %broadcast_in_dim3A_294 in 1 : vector<1x253xf32>, vector<1x2xf32> -> vector<1x255xf32>
    %broadcast_in_dim3A_297 = vector.shape_cast %squeeze3A_285 : vector<255xf32> to vector<1x255xf32>
    %broadcast_in_dim3A_298 = arith.constant 0.000000e+00 : f32
    %broadcast_in_dim3A_299 = vector.broadcast %broadcast_in_dim3A_298 : f32 to vector<1x3xf32>
    %slice3A_300 = vector.extract_strided_slice %broadcast_in_dim3A_297 {offsets = [0, 3], sizes = [1, 252], strides = [1, 1]} : vector<1x255xf32> to vector<1x252xf32>
    %concatenate3A_301 = tpu.concatenate %slice3A_300, %broadcast_in_dim3A_299 in 1 : vector<1x252xf32>, vector<1x3xf32> -> vector<1x255xf32>
    %broadcast_in_dim3A_302 = vector.shape_cast %squeeze3A_285 : vector<255xf32> to vector<1x255xf32>
    %broadcast_in_dim3A_303 = arith.constant 0.000000e+00 : f32
    %broadcast_in_dim3A_304 = vector.broadcast %broadcast_in_dim3A_303 : f32 to vector<1x4xf32>
    %slice3A_305 = vector.extract_strided_slice %broadcast_in_dim3A_302 {offsets = [0, 4], sizes = [1, 251], strides = [1, 1]} : vector<1x255xf32> to vector<1x251xf32>
    %concatenate3A_306 = tpu.concatenate %slice3A_305, %broadcast_in_dim3A_304 in 1 : vector<1x251xf32>, vector<1x4xf32> -> vector<1x255xf32>
    %broadcast_in_dim3A_307 = vector.shape_cast %squeeze3A_285 : vector<255xf32> to vector<1x255xf32>
    %broadcast_in_dim3A_308 = arith.constant 0.000000e+00 : f32
    %broadcast_in_dim3A_309 = vector.broadcast %broadcast_in_dim3A_308 : f32 to vector<1x5xf32>
    %slice3A_310 = vector.extract_strided_slice %broadcast_in_dim3A_307 {offsets = [0, 5], sizes = [1, 250], strides = [1, 1]} : vector<1x255xf32> to vector<1x250xf32>
    %concatenate3A_311 = tpu.concatenate %slice3A_310, %broadcast_in_dim3A_309 in 1 : vector<1x250xf32>, vector<1x5xf32> -> vector<1x255xf32>
    %broadcast_in_dim3A_312 = vector.shape_cast %squeeze3A_285 : vector<255xf32> to vector<1x255xf32>
    %broadcast_in_dim3A_313 = arith.constant 0.000000e+00 : f32
    %broadcast_in_dim3A_314 = vector.broadcast %broadcast_in_dim3A_313 : f32 to vector<1x6xf32>
    %slice3A_315 = vector.extract_strided_slice %broadcast_in_dim3A_312 {offsets = [0, 6], sizes = [1, 249], strides = [1, 1]} : vector<1x255xf32> to vector<1x249xf32>
    %concatenate3A_316 = tpu.concatenate %slice3A_315, %broadcast_in_dim3A_314 in 1 : vector<1x249xf32>, vector<1x6xf32> -> vector<1x255xf32>
    %broadcast_in_dim3A_317 = vector.shape_cast %squeeze3A_285 : vector<255xf32> to vector<1x255xf32>
    %broadcast_in_dim3A_318 = arith.constant 0.000000e+00 : f32
    %broadcast_in_dim3A_319 = vector.broadcast %broadcast_in_dim3A_318 : f32 to vector<1x7xf32>
    %slice3A_320 = vector.extract_strided_slice %broadcast_in_dim3A_317 {offsets = [0, 7], sizes = [1, 248], strides = [1, 1]} : vector<1x255xf32> to vector<1x248xf32>
    %concatenate3A_321 = tpu.concatenate %slice3A_320, %broadcast_in_dim3A_319 in 1 : vector<1x248xf32>, vector<1x7xf32> -> vector<1x255xf32>
    %concatenate3A_322 = tpu.concatenate %broadcast_in_dim3A_286, %concatenate3A_291, %concatenate3A_296, %concatenate3A_301, %concatenate3A_306, %concatenate3A_311, %concatenate3A_316, %concatenate3A_321 in 0 : vector<1x255xf32>, vector<1x255xf32>, vector<1x255xf32>, vector<1x255xf32>, vector<1x255xf32>, vector<1x255xf32>, vector<1x255xf32>, vector<1x255xf32> -> vector<8x255xf32>
    %broadcast_in_dim3A_323 = arith.constant 0.000000e+00 : f32
    %broadcast_in_dim3A_324 = vector.broadcast %broadcast_in_dim3A_323 : f32 to vector<8x8xf32>
    %slice3A_325 = vector.extract_strided_slice %concatenate3A_322 {offsets = [0, 8], sizes = [8, 247], strides = [1, 1]} : vector<8x255xf32> to vector<8x247xf32>
    %concatenate3A_326 = tpu.concatenate %slice3A_325, %broadcast_in_dim3A_324 in 1 : vector<8x247xf32>, vector<8x8xf32> -> vector<8x255xf32>
    %concatenate3A_327 = tpu.concatenate %concatenate3A_322, %concatenate3A_326 in 0 : vector<8x255xf32>, vector<8x255xf32> -> vector<16x255xf32>
    %broadcast_in_dim3A_328 = arith.constant 0.000000e+00 : f32
    %broadcast_in_dim3A_329 = vector.broadcast %broadcast_in_dim3A_328 : f32 to vector<16x16xf32>
    %slice3A_330 = vector.extract_strided_slice %concatenate3A_327 {offsets = [0, 16], sizes = [16, 239], strides = [1, 1]} : vector<16x255xf32> to vector<16x239xf32>
    %concatenate3A_331 = tpu.concatenate %slice3A_330, %broadcast_in_dim3A_329 in 1 : vector<16x239xf32>, vector<16x16xf32> -> vector<16x255xf32>
    %concatenate3A_332 = tpu.concatenate %concatenate3A_327, %concatenate3A_331 in 0 : vector<16x255xf32>, vector<16x255xf32> -> vector<32x255xf32>
    %broadcast_in_dim3A_333 = arith.constant 0.000000e+00 : f32
    %broadcast_in_dim3A_334 = vector.broadcast %broadcast_in_dim3A_333 : f32 to vector<32x32xf32>
    %slice3A_335 = vector.extract_strided_slice %concatenate3A_332 {offsets = [0, 32], sizes = [32, 223], strides = [1, 1]} : vector<32x255xf32> to vector<32x223xf32>
    %concatenate3A_336 = tpu.concatenate %slice3A_335, %broadcast_in_dim3A_334 in 1 : vector<32x223xf32>, vector<32x32xf32> -> vector<32x255xf32>
    %concatenate3A_337 = tpu.concatenate %concatenate3A_332, %concatenate3A_336 in 0 : vector<32x255xf32>, vector<32x255xf32> -> vector<64x255xf32>
    %broadcast_in_dim3A_338 = arith.constant 0.000000e+00 : f32
    %broadcast_in_dim3A_339 = vector.broadcast %broadcast_in_dim3A_338 : f32 to vector<64x64xf32>
    %slice3A_340 = vector.extract_strided_slice %concatenate3A_337 {offsets = [0, 64], sizes = [64, 191], strides = [1, 1]} : vector<64x255xf32> to vector<64x191xf32>
    %concatenate3A_341 = tpu.concatenate %slice3A_340, %broadcast_in_dim3A_339 in 1 : vector<64x191xf32>, vector<64x64xf32> -> vector<64x255xf32>
    %concatenate3A_342 = tpu.concatenate %concatenate3A_337, %concatenate3A_341 in 0 : vector<64x255xf32>, vector<64x255xf32> -> vector<128x255xf32>
    %broadcast_in_dim3A_343 = arith.constant 0.000000e+00 : f32
    %broadcast_in_dim3A_344 = vector.broadcast %broadcast_in_dim3A_343 : f32 to vector<128x128xf32>
    %slice3A_345 = vector.extract_strided_slice %concatenate3A_342 {offsets = [0, 128], sizes = [128, 127], strides = [1, 1]} : vector<128x255xf32> to vector<128x127xf32>
    %concatenate3A_346 = tpu.concatenate %slice3A_345, %broadcast_in_dim3A_344 in 1 : vector<128x127xf32>, vector<128x128xf32> -> vector<128x255xf32>
    %concatenate3A_347 = tpu.concatenate %concatenate3A_342, %concatenate3A_346 in 0 : vector<128x255xf32>, vector<128x255xf32> -> vector<256x255xf32>
    %slice3A_348 = vector.extract_strided_slice %concatenate3A_347 {offsets = [0, 0], sizes = [254, 255], strides = [1, 1]} : vector<256x255xf32> to vector<254x255xf32>
    %broadcast_in_dim3A_349 = vector.shape_cast %slice3A_215 : vector<255xf32> to vector<1x255xf32>
    %sub3A_350 = vector.broadcast %broadcast_in_dim3A_349 : vector<1x255xf32> to vector<254x255xf32>
    %sub3A_351 = arith.subf %slice3A_279, %sub3A_350 : vector<254x255xf32>
    %mul3A_352 = arith.constant 144.269501 : f32
    %mul3A_353 = vector.broadcast %mul3A_352 : f32 to vector<254x255xf32>
    %mul3A_354 = arith.mulf %sub3A_351, %mul3A_353 : vector<254x255xf32>
    %add3A_355 = arith.constant 7.21347522 : f32
    %add3A_356 = vector.broadcast %add3A_355 : f32 to vector<254x255xf32>
    %add3A_357 = arith.addf %mul3A_354, %add3A_356 : vector<254x255xf32>
    %min3A_358 = arith.constant 0.000000e+00 : f32
    %min3A_359 = vector.broadcast %min3A_358 : f32 to vector<254x255xf32>
    %min3A_360 = arith.minimumf %add3A_357, %min3A_359 : vector<254x255xf32>
    %abs3A_361 = math.absf %add3A_357 : vector<254x255xf32>
    %neg3A_362 = arith.constant 0.000000e+00 : f32
    %neg3A_363 = vector.broadcast %neg3A_362 : f32 to vector<254x255xf32>
    %neg3A_364 = arith.subf %neg3A_363, %abs3A_361 : vector<254x255xf32>
    %exp23A_365 = math.exp2 %neg3A_364 : vector<254x255xf32>
    %add3A_366 = arith.constant 1.000000e+00 : f32
    %add3A_367 = vector.broadcast %add3A_366 : f32 to vector<254x255xf32>
    %add3A_368 = arith.addf %add3A_367, %exp23A_365 : vector<254x255xf32>
    %log3A_369 = math.log %add3A_368 : vector<254x255xf32>
    %log3A_370 = arith.constant 2.000000e+00 : f32
    %log3A_371 = math.log %log3A_370 : f32
    %div3A_372 = vector.broadcast %log3A_371 : f32 to vector<254x255xf32>
    %div3A_373 = arith.divf %log3A_369, %div3A_372 : vector<254x255xf32>
    %sub3A_374 = arith.subf %min3A_360, %div3A_373 : vector<254x255xf32>
    %convert_element_type3A_375 = arith.truncf %sub3A_374 : vector<254x255xf32> to vector<254x255xbf16>
    %convert_element_type3A_376 = arith.extf %convert_element_type3A_375 : vector<254x255xbf16> to vector<254x255xf32>
    %sub3A_377 = arith.subf %sub3A_374, %convert_element_type3A_376 : vector<254x255xf32>
    %convert_element_type3A_378 = arith.truncf %sub3A_377 : vector<254x255xf32> to vector<254x255xbf16>
    %dot_general3A_379 = arith.constant dense<0.000000e+00> : vector<255x254xf32>
    %dot_general3A_380 = tpu.matmul %convert_element_type3A_375, %convert_element_type3A_2, %dot_general3A_379 {dimension_numbers = #tpu.dot_dimension_numbers<[0], [0], [1], [1], [0, 1, 1, 1], [], []>, transpose_lhs_hint = false} : vector<254x255xbf16>, vector<254x254xbf16>, vector<255x254xf32> -> vector<255x254xf32>
    %dot_general3A_381 = arith.constant dense<0.000000e+00> : vector<255x254xf32>
    %dot_general3A_382 = tpu.matmul %convert_element_type3A_378, %convert_element_type3A_2, %dot_general3A_381 {dimension_numbers = #tpu.dot_dimension_numbers<[0], [0], [1], [1], [0, 1, 1, 1], [], []>, transpose_lhs_hint = false} : vector<254x255xbf16>, vector<254x254xbf16>, vector<255x254xf32> -> vector<255x254xf32>
    %add3A_383 = arith.addf %dot_general3A_380, %dot_general3A_382 : vector<255x254xf32>
    %exp23A_384 = math.exp2 %add3A_383 : vector<255x254xf32>
    %swap3A_385 = arith.constant 1 : index
    %swap3A_386 = arith.constant 0 : index
    %swap3A_387 = arith.constant 0 : index
    %swap3A_388 = vector.load %arg2[%swap3A_385, %swap3A_386, %swap3A_387] : memref<4x255x254xf32, #tpu.memory_space<vmem>>, vector<1x255x254xf32>
    %swap3A_389 = vector.shape_cast %swap3A_388 : vector<1x255x254xf32> to vector<255x254xf32>
    %swap3A_390 = vector.shape_cast %exp23A_384 : vector<255x254xf32> to vector<1x255x254xf32>
    tpu.vector_store %arg2[%swap3A_385, %swap3A_386, %swap3A_387], %swap3A_390 {strides = array<i32>} : memref<4x255x254xf32, #tpu.memory_space<vmem>>, vector<1x255x254xf32>,
    %broadcast_in_dim3A_391 = vector.shape_cast %slice3A_216 : vector<255xf32> to vector<1x255xf32>
    %sub3A_392 = vector.broadcast %broadcast_in_dim3A_391 : vector<1x255xf32> to vector<254x255xf32>
    %sub3A_393 = arith.subf %slice3A_348, %sub3A_392 : vector<254x255xf32>
    %mul3A_394 = arith.constant 144.269501 : f32
    %mul3A_395 = vector.broadcast %mul3A_394 : f32 to vector<254x255xf32>
    %mul3A_396 = arith.mulf %sub3A_393, %mul3A_395 : vector<254x255xf32>
    %add3A_397 = arith.constant 7.21347522 : f32
    %add3A_398 = vector.broadcast %add3A_397 : f32 to vector<254x255xf32>
    %add3A_399 = arith.addf %mul3A_396, %add3A_398 : vector<254x255xf32>
    %min3A_400 = arith.constant 0.000000e+00 : f32
    %min3A_401 = vector.broadcast %min3A_400 : f32 to vector<254x255xf32>
    %min3A_402 = arith.minimumf %add3A_399, %min3A_401 : vector<254x255xf32>
    %abs3A_403 = math.absf %add3A_399 : vector<254x255xf32>
    %neg3A_404 = arith.constant 0.000000e+00 : f32
    %neg3A_405 = vector.broadcast %neg3A_404 : f32 to vector<254x255xf32>
    %neg3A_406 = arith.subf %neg3A_405, %abs3A_403 : vector<254x255xf32>
    %exp23A_407 = math.exp2 %neg3A_406 : vector<254x255xf32>
    %add3A_408 = arith.constant 1.000000e+00 : f32
    %add3A_409 = vector.broadcast %add3A_408 : f32 to vector<254x255xf32>
    %add3A_410 = arith.addf %add3A_409, %exp23A_407 : vector<254x255xf32>
    %log3A_411 = math.log %add3A_410 : vector<254x255xf32>
    %log3A_412 = arith.constant 2.000000e+00 : f32
    %log3A_413 = math.log %log3A_412 : f32
    %div3A_414 = vector.broadcast %log3A_413 : f32 to vector<254x255xf32>
    %div3A_415 = arith.divf %log3A_411, %div3A_414 : vector<254x255xf32>
    %sub3A_416 = arith.subf %min3A_402, %div3A_415 : vector<254x255xf32>
    %convert_element_type3A_417 = arith.truncf %sub3A_416 : vector<254x255xf32> to vector<254x255xbf16>
    %convert_element_type3A_418 = arith.extf %convert_element_type3A_417 : vector<254x255xbf16> to vector<254x255xf32>
    %sub3A_419 = arith.subf %sub3A_416, %convert_element_type3A_418 : vector<254x255xf32>
    %convert_element_type3A_420 = arith.truncf %sub3A_419 : vector<254x255xf32> to vector<254x255xbf16>
    %dot_general3A_421 = arith.constant dense<0.000000e+00> : vector<255x254xf32>
    %dot_general3A_422 = tpu.matmul %convert_element_type3A_417, %convert_element_type3A_2, %dot_general3A_421 {dimension_numbers = #tpu.dot_dimension_numbers<[0], [0], [1], [1], [0, 1, 1, 1], [], []>, transpose_lhs_hint = false} : vector<254x255xbf16>, vector<254x254xbf16>, vector<255x254xf32> -> vector<255x254xf32>
    %dot_general3A_423 = arith.constant dense<0.000000e+00> : vector<255x254xf32>
    %dot_general3A_424 = tpu.matmul %convert_element_type3A_420, %convert_element_type3A_2, %dot_general3A_423 {dimension_numbers = #tpu.dot_dimension_numbers<[0], [0], [1], [1], [0, 1, 1, 1], [], []>, transpose_lhs_hint = false} : vector<254x255xbf16>, vector<254x254xbf16>, vector<255x254xf32> -> vector<255x254xf32>
    %add3A_425 = arith.addf %dot_general3A_422, %dot_general3A_424 : vector<255x254xf32>
    %exp23A_426 = math.exp2 %add3A_425 : vector<255x254xf32>
    %swap3A_427 = arith.constant 1 : index
    %swap3A_428 = arith.constant 0 : index
    %swap3A_429 = arith.constant 0 : index
    %swap3A_430 = vector.load %arg3[%swap3A_427, %swap3A_428, %swap3A_429] : memref<4x255x254xf32, #tpu.memory_space<vmem>>, vector<1x255x254xf32>
    %swap3A_431 = vector.shape_cast %swap3A_430 : vector<1x255x254xf32> to vector<255x254xf32>
    %swap3A_432 = vector.shape_cast %exp23A_426 : vector<255x254xf32> to vector<1x255x254xf32>
    tpu.vector_store %arg3[%swap3A_427, %swap3A_428, %swap3A_429], %swap3A_432 {strides = array<i32>} : memref<4x255x254xf32, #tpu.memory_space<vmem>>, vector<1x255x254xf32>,
    %get3A_433 = arith.constant 2 : index
    %get3A_434 = arith.constant 0 : index
    %get3A_435 = arith.constant 0 : index
    %get3A_436 = vector.load %arg1[%get3A_433, %get3A_434, %get3A_435] : memref<4x1x256xf32, #tpu.memory_space<vmem>>, vector<1x1x256xf32>
    %get3A_437 = vector.shape_cast %get3A_436 : vector<1x1x256xf32> to vector<256xf32>
    %slice3A_438 = vector.extract_strided_slice %get3A_437 {offsets = [0], sizes = [255], strides = [1]} : vector<256xf32> to vector<255xf32>
    %slice3A_439 = vector.extract_strided_slice %get3A_437 {offsets = [1], sizes = [255], strides = [1]} : vector<256xf32> to vector<255xf32>
    %broadcast_in_dim3A_440 = vector.shape_cast %slice3A_438 : vector<255xf32> to vector<1x255xf32>
    %broadcast_in_dim3A_441 = vector.shape_cast %slice3A_438 : vector<255xf32> to vector<1x255xf32>
    %broadcast_in_dim3A_442 = arith.constant 0.000000e+00 : f32
    %broadcast_in_dim3A_443 = vector.broadcast %broadcast_in_dim3A_442 : f32 to vector<1x1xf32>
    %slice3A_444 = vector.extract_strided_slice %broadcast_in_dim3A_441 {offsets = [0, 0], sizes = [1, 254], strides = [1, 1]} : vector<1x255xf32> to vector<1x254xf32>
    %concatenate3A_445 = tpu.concatenate %broadcast_in_dim3A_443, %slice3A_444 in 1 : vector<1x1xf32>, vector<1x254xf32> -> vector<1x255xf32>
    %broadcast_in_dim3A_446 = vector.shape_cast %slice3A_438 : vector<255xf32> to vector<1x255xf32>
    %broadcast_in_dim3A_447 = arith.constant 0.000000e+00 : f32
    %broadcast_in_dim3A_448 = vector.broadcast %broadcast_in_dim3A_447 : f32 to vector<1x2xf32>
    %slice3A_449 = vector.extract_strided_slice %broadcast_in_dim3A_446 {offsets = [0, 0], sizes = [1, 253], strides = [1, 1]} : vector<1x255xf32> to vector<1x253xf32>
    %concatenate3A_450 = tpu.concatenate %broadcast_in_dim3A_448, %slice3A_449 in 1 : vector<1x2xf32>, vector<1x253xf32> -> vector<1x255xf32>
    %broadcast_in_dim3A_451 = vector.shape_cast %slice3A_438 : vector<255xf32> to vector<1x255xf32>
    %broadcast_in_dim3A_452 = arith.constant 0.000000e+00 : f32
    %broadcast_in_dim3A_453 = vector.broadcast %broadcast_in_dim3A_452 : f32 to vector<1x3xf32>
    %slice3A_454 = vector.extract_strided_slice %broadcast_in_dim3A_451 {offsets = [0, 0], sizes = [1, 252], strides = [1, 1]} : vector<1x255xf32> to vector<1x252xf32>
    %concatenate3A_455 = tpu.concatenate %broadcast_in_dim3A_453, %slice3A_454 in 1 : vector<1x3xf32>, vector<1x252xf32> -> vector<1x255xf32>
    %broadcast_in_dim3A_456 = vector.shape_cast %slice3A_438 : vector<255xf32> to vector<1x255xf32>
    %broadcast_in_dim3A_457 = arith.constant 0.000000e+00 : f32
    %broadcast_in_dim3A_458 = vector.broadcast %broadcast_in_dim3A_457 : f32 to vector<1x4xf32>
    %slice3A_459 = vector.extract_strided_slice %broadcast_in_dim3A_456 {offsets = [0, 0], sizes = [1, 251], strides = [1, 1]} : vector<1x255xf32> to vector<1x251xf32>
    %concatenate3A_460 = tpu.concatenate %broadcast_in_dim3A_458, %slice3A_459 in 1 : vector<1x4xf32>, vector<1x251xf32> -> vector<1x255xf32>
    %broadcast_in_dim3A_461 = vector.shape_cast %slice3A_438 : vector<255xf32> to vector<1x255xf32>
    %broadcast_in_dim3A_462 = arith.constant 0.000000e+00 : f32
    %broadcast_in_dim3A_463 = vector.broadcast %broadcast_in_dim3A_462 : f32 to vector<1x5xf32>
    %slice3A_464 = vector.extract_strided_slice %broadcast_in_dim3A_461 {offsets = [0, 0], sizes = [1, 250], strides = [1, 1]} : vector<1x255xf32> to vector<1x250xf32>
    %concatenate3A_465 = tpu.concatenate %broadcast_in_dim3A_463, %slice3A_464 in 1 : vector<1x5xf32>, vector<1x250xf32> -> vector<1x255xf32>
    %broadcast_in_dim3A_466 = vector.shape_cast %slice3A_438 : vector<255xf32> to vector<1x255xf32>
    %broadcast_in_dim3A_467 = arith.constant 0.000000e+00 : f32
    %broadcast_in_dim3A_468 = vector.broadcast %broadcast_in_dim3A_467 : f32 to vector<1x6xf32>
    %slice3A_469 = vector.extract_strided_slice %broadcast_in_dim3A_466 {offsets = [0, 0], sizes = [1, 249], strides = [1, 1]} : vector<1x255xf32> to vector<1x249xf32>
    %concatenate3A_470 = tpu.concatenate %broadcast_in_dim3A_468, %slice3A_469 in 1 : vector<1x6xf32>, vector<1x249xf32> -> vector<1x255xf32>
    %broadcast_in_dim3A_471 = vector.shape_cast %slice3A_438 : vector<255xf32> to vector<1x255xf32>
    %broadcast_in_dim3A_472 = arith.constant 0.000000e+00 : f32
    %broadcast_in_dim3A_473 = vector.broadcast %broadcast_in_dim3A_472 : f32 to vector<1x7xf32>
    %slice3A_474 = vector.extract_strided_slice %broadcast_in_dim3A_471 {offsets = [0, 0], sizes = [1, 248], strides = [1, 1]} : vector<1x255xf32> to vector<1x248xf32>
    %concatenate3A_475 = tpu.concatenate %broadcast_in_dim3A_473, %slice3A_474 in 1 : vector<1x7xf32>, vector<1x248xf32> -> vector<1x255xf32>
    %concatenate3A_476 = tpu.concatenate %broadcast_in_dim3A_440, %concatenate3A_445, %concatenate3A_450, %concatenate3A_455, %concatenate3A_460, %concatenate3A_465, %concatenate3A_470, %concatenate3A_475 in 0 : vector<1x255xf32>, vector<1x255xf32>, vector<1x255xf32>, vector<1x255xf32>, vector<1x255xf32>, vector<1x255xf32>, vector<1x255xf32>, vector<1x255xf32> -> vector<8x255xf32>
    %broadcast_in_dim3A_477 = arith.constant 0.000000e+00 : f32
    %broadcast_in_dim3A_478 = vector.broadcast %broadcast_in_dim3A_477 : f32 to vector<8x8xf32>
    %slice3A_479 = vector.extract_strided_slice %concatenate3A_476 {offsets = [0, 0], sizes = [8, 247], strides = [1, 1]} : vector<8x255xf32> to vector<8x247xf32>
    %concatenate3A_480 = tpu.concatenate %broadcast_in_dim3A_478, %slice3A_479 in 1 : vector<8x8xf32>, vector<8x247xf32> -> vector<8x255xf32>
    %concatenate3A_481 = tpu.concatenate %concatenate3A_476, %concatenate3A_480 in 0 : vector<8x255xf32>, vector<8x255xf32> -> vector<16x255xf32>
    %broadcast_in_dim3A_482 = arith.constant 0.000000e+00 : f32
    %broadcast_in_dim3A_483 = vector.broadcast %broadcast_in_dim3A_482 : f32 to vector<16x16xf32>
    %slice3A_484 = vector.extract_strided_slice %concatenate3A_481 {offsets = [0, 0], sizes = [16, 239], strides = [1, 1]} : vector<16x255xf32> to vector<16x239xf32>
    %concatenate3A_485 = tpu.concatenate %broadcast_in_dim3A_483, %slice3A_484 in 1 : vector<16x16xf32>, vector<16x239xf32> -> vector<16x255xf32>
    %concatenate3A_486 = tpu.concatenate %concatenate3A_481, %concatenate3A_485 in 0 : vector<16x255xf32>, vector<16x255xf32> -> vector<32x255xf32>
    %broadcast_in_dim3A_487 = arith.constant 0.000000e+00 : f32
    %broadcast_in_dim3A_488 = vector.broadcast %broadcast_in_dim3A_487 : f32 to vector<32x32xf32>
    %slice3A_489 = vector.extract_strided_slice %concatenate3A_486 {offsets = [0, 0], sizes = [32, 223], strides = [1, 1]} : vector<32x255xf32> to vector<32x223xf32>
    %concatenate3A_490 = tpu.concatenate %broadcast_in_dim3A_488, %slice3A_489 in 1 : vector<32x32xf32>, vector<32x223xf32> -> vector<32x255xf32>
    %concatenate3A_491 = tpu.concatenate %concatenate3A_486, %concatenate3A_490 in 0 : vector<32x255xf32>, vector<32x255xf32> -> vector<64x255xf32>
    %broadcast_in_dim3A_492 = arith.constant 0.000000e+00 : f32
    %broadcast_in_dim3A_493 = vector.broadcast %broadcast_in_dim3A_492 : f32 to vector<64x64xf32>
    %slice3A_494 = vector.extract_strided_slice %concatenate3A_491 {offsets = [0, 0], sizes = [64, 191], strides = [1, 1]} : vector<64x255xf32> to vector<64x191xf32>
    %concatenate3A_495 = tpu.concatenate %broadcast_in_dim3A_493, %slice3A_494 in 1 : vector<64x64xf32>, vector<64x191xf32> -> vector<64x255xf32>
    %concatenate3A_496 = tpu.concatenate %concatenate3A_491, %concatenate3A_495 in 0 : vector<64x255xf32>, vector<64x255xf32> -> vector<128x255xf32>
    %broadcast_in_dim3A_497 = arith.constant 0.000000e+00 : f32
    %broadcast_in_dim3A_498 = vector.broadcast %broadcast_in_dim3A_497 : f32 to vector<128x128xf32>
    %slice3A_499 = vector.extract_strided_slice %concatenate3A_496 {offsets = [0, 0], sizes = [128, 127], strides = [1, 1]} : vector<128x255xf32> to vector<128x127xf32>
    %concatenate3A_500 = tpu.concatenate %broadcast_in_dim3A_498, %slice3A_499 in 1 : vector<128x128xf32>, vector<128x127xf32> -> vector<128x255xf32>
    %concatenate3A_501 = tpu.concatenate %concatenate3A_496, %concatenate3A_500 in 0 : vector<128x255xf32>, vector<128x255xf32> -> vector<256x255xf32>
    %slice3A_502 = vector.extract_strided_slice %concatenate3A_501 {offsets = [0, 0], sizes = [254, 255], strides = [1, 1]} : vector<256x255xf32> to vector<254x255xf32>
    %broadcast_in_dim3A_503 = vector.shape_cast %slice3A_439 : vector<255xf32> to vector<1x255xf32>
    %broadcast_in_dim3A_504 = arith.constant 0.000000e+00 : f32
    %broadcast_in_dim3A_505 = vector.broadcast %broadcast_in_dim3A_504 : f32 to vector<1x1xf32>
    %slice3A_506 = vector.extract_strided_slice %broadcast_in_dim3A_503 {offsets = [0, 1], sizes = [1, 254], strides = [1, 1]} : vector<1x255xf32> to vector<1x254xf32>
    %concatenate3A_507 = tpu.concatenate %slice3A_506, %broadcast_in_dim3A_505 in 1 : vector<1x254xf32>, vector<1x1xf32> -> vector<1x255xf32>
    %squeeze3A_508 = vector.shape_cast %concatenate3A_507 : vector<1x255xf32> to vector<255xf32>
    %broadcast_in_dim3A_509 = vector.shape_cast %squeeze3A_508 : vector<255xf32> to vector<1x255xf32>
    %broadcast_in_dim3A_510 = vector.shape_cast %squeeze3A_508 : vector<255xf32> to vector<1x255xf32>
    %broadcast_in_dim3A_511 = arith.constant 0.000000e+00 : f32
    %broadcast_in_dim3A_512 = vector.broadcast %broadcast_in_dim3A_511 : f32 to vector<1x1xf32>
    %slice3A_513 = vector.extract_strided_slice %broadcast_in_dim3A_510 {offsets = [0, 1], sizes = [1, 254], strides = [1, 1]} : vector<1x255xf32> to vector<1x254xf32>
    %concatenate3A_514 = tpu.concatenate %slice3A_513, %broadcast_in_dim3A_512 in 1 : vector<1x254xf32>, vector<1x1xf32> -> vector<1x255xf32>
    %broadcast_in_dim3A_515 = vector.shape_cast %squeeze3A_508 : vector<255xf32> to vector<1x255xf32>
    %broadcast_in_dim3A_516 = arith.constant 0.000000e+00 : f32
    %broadcast_in_dim3A_517 = vector.broadcast %broadcast_in_dim3A_516 : f32 to vector<1x2xf32>
    %slice3A_518 = vector.extract_strided_slice %broadcast_in_dim3A_515 {offsets = [0, 2], sizes = [1, 253], strides = [1, 1]} : vector<1x255xf32> to vector<1x253xf32>
    %concatenate3A_519 = tpu.concatenate %slice3A_518, %broadcast_in_dim3A_517 in 1 : vector<1x253xf32>, vector<1x2xf32> -> vector<1x255xf32>
    %broadcast_in_dim3A_520 = vector.shape_cast %squeeze3A_508 : vector<255xf32> to vector<1x255xf32>
    %broadcast_in_dim3A_521 = arith.constant 0.000000e+00 : f32
    %broadcast_in_dim3A_522 = vector.broadcast %broadcast_in_dim3A_521 : f32 to vector<1x3xf32>
    %slice3A_523 = vector.extract_strided_slice %broadcast_in_dim3A_520 {offsets = [0, 3], sizes = [1, 252], strides = [1, 1]} : vector<1x255xf32> to vector<1x252xf32>
    %concatenate3A_524 = tpu.concatenate %slice3A_523, %broadcast_in_dim3A_522 in 1 : vector<1x252xf32>, vector<1x3xf32> -> vector<1x255xf32>
    %broadcast_in_dim3A_525 = vector.shape_cast %squeeze3A_508 : vector<255xf32> to vector<1x255xf32>
    %broadcast_in_dim3A_526 = arith.constant 0.000000e+00 : f32
    %broadcast_in_dim3A_527 = vector.broadcast %broadcast_in_dim3A_526 : f32 to vector<1x4xf32>
    %slice3A_528 = vector.extract_strided_slice %broadcast_in_dim3A_525 {offsets = [0, 4], sizes = [1, 251], strides = [1, 1]} : vector<1x255xf32> to vector<1x251xf32>
    %concatenate3A_529 = tpu.concatenate %slice3A_528, %broadcast_in_dim3A_527 in 1 : vector<1x251xf32>, vector<1x4xf32> -> vector<1x255xf32>
    %broadcast_in_dim3A_530 = vector.shape_cast %squeeze3A_508 : vector<255xf32> to vector<1x255xf32>
    %broadcast_in_dim3A_531 = arith.constant 0.000000e+00 : f32
    %broadcast_in_dim3A_532 = vector.broadcast %broadcast_in_dim3A_531 : f32 to vector<1x5xf32>
    %slice3A_533 = vector.extract_strided_slice %broadcast_in_dim3A_530 {offsets = [0, 5], sizes = [1, 250], strides = [1, 1]} : vector<1x255xf32> to vector<1x250xf32>
    %concatenate3A_534 = tpu.concatenate %slice3A_533, %broadcast_in_dim3A_532 in 1 : vector<1x250xf32>, vector<1x5xf32> -> vector<1x255xf32>
    %broadcast_in_dim3A_535 = vector.shape_cast %squeeze3A_508 : vector<255xf32> to vector<1x255xf32>
    %broadcast_in_dim3A_536 = arith.constant 0.000000e+00 : f32
    %broadcast_in_dim3A_537 = vector.broadcast %broadcast_in_dim3A_536 : f32 to vector<1x6xf32>
    %slice3A_538 = vector.extract_strided_slice %broadcast_in_dim3A_535 {offsets = [0, 6], sizes = [1, 249], strides = [1, 1]} : vector<1x255xf32> to vector<1x249xf32>
    %concatenate3A_539 = tpu.concatenate %slice3A_538, %broadcast_in_dim3A_537 in 1 : vector<1x249xf32>, vector<1x6xf32> -> vector<1x255xf32>
    %broadcast_in_dim3A_540 = vector.shape_cast %squeeze3A_508 : vector<255xf32> to vector<1x255xf32>
    %broadcast_in_dim3A_541 = arith.constant 0.000000e+00 : f32
    %broadcast_in_dim3A_542 = vector.broadcast %broadcast_in_dim3A_541 : f32 to vector<1x7xf32>
    %slice3A_543 = vector.extract_strided_slice %broadcast_in_dim3A_540 {offsets = [0, 7], sizes = [1, 248], strides = [1, 1]} : vector<1x255xf32> to vector<1x248xf32>
    %concatenate3A_544 = tpu.concatenate %slice3A_543, %broadcast_in_dim3A_542 in 1 : vector<1x248xf32>, vector<1x7xf32> -> vector<1x255xf32>
    %concatenate3A_545 = tpu.concatenate %broadcast_in_dim3A_509, %concatenate3A_514, %concatenate3A_519, %concatenate3A_524, %concatenate3A_529, %concatenate3A_534, %concatenate3A_539, %concatenate3A_544 in 0 : vector<1x255xf32>, vector<1x255xf32>, vector<1x255xf32>, vector<1x255xf32>, vector<1x255xf32>, vector<1x255xf32>, vector<1x255xf32>, vector<1x255xf32> -> vector<8x255xf32>
    %broadcast_in_dim3A_546 = arith.constant 0.000000e+00 : f32
    %broadcast_in_dim3A_547 = vector.broadcast %broadcast_in_dim3A_546 : f32 to vector<8x8xf32>
    %slice3A_548 = vector.extract_strided_slice %concatenate3A_545 {offsets = [0, 8], sizes = [8, 247], strides = [1, 1]} : vector<8x255xf32> to vector<8x247xf32>
    %concatenate3A_549 = tpu.concatenate %slice3A_548, %broadcast_in_dim3A_547 in 1 : vector<8x247xf32>, vector<8x8xf32> -> vector<8x255xf32>
    %concatenate3A_550 = tpu.concatenate %concatenate3A_545, %concatenate3A_549 in 0 : vector<8x255xf32>, vector<8x255xf32> -> vector<16x255xf32>
    %broadcast_in_dim3A_551 = arith.constant 0.000000e+00 : f32
    %broadcast_in_dim3A_552 = vector.broadcast %broadcast_in_dim3A_551 : f32 to vector<16x16xf32>
    %slice3A_553 = vector.extract_strided_slice %concatenate3A_550 {offsets = [0, 16], sizes = [16, 239], strides = [1, 1]} : vector<16x255xf32> to vector<16x239xf32>
    %concatenate3A_554 = tpu.concatenate %slice3A_553, %broadcast_in_dim3A_552 in 1 : vector<16x239xf32>, vector<16x16xf32> -> vector<16x255xf32>
    %concatenate3A_555 = tpu.concatenate %concatenate3A_550, %concatenate3A_554 in 0 : vector<16x255xf32>, vector<16x255xf32> -> vector<32x255xf32>
    %broadcast_in_dim3A_556 = arith.constant 0.000000e+00 : f32
    %broadcast_in_dim3A_557 = vector.broadcast %broadcast_in_dim3A_556 : f32 to vector<32x32xf32>
    %slice3A_558 = vector.extract_strided_slice %concatenate3A_555 {offsets = [0, 32], sizes = [32, 223], strides = [1, 1]} : vector<32x255xf32> to vector<32x223xf32>
    %concatenate3A_559 = tpu.concatenate %slice3A_558, %broadcast_in_dim3A_557 in 1 : vector<32x223xf32>, vector<32x32xf32> -> vector<32x255xf32>
    %concatenate3A_560 = tpu.concatenate %concatenate3A_555, %concatenate3A_559 in 0 : vector<32x255xf32>, vector<32x255xf32> -> vector<64x255xf32>
    %broadcast_in_dim3A_561 = arith.constant 0.000000e+00 : f32
    %broadcast_in_dim3A_562 = vector.broadcast %broadcast_in_dim3A_561 : f32 to vector<64x64xf32>
    %slice3A_563 = vector.extract_strided_slice %concatenate3A_560 {offsets = [0, 64], sizes = [64, 191], strides = [1, 1]} : vector<64x255xf32> to vector<64x191xf32>
    %concatenate3A_564 = tpu.concatenate %slice3A_563, %broadcast_in_dim3A_562 in 1 : vector<64x191xf32>, vector<64x64xf32> -> vector<64x255xf32>
    %concatenate3A_565 = tpu.concatenate %concatenate3A_560, %concatenate3A_564 in 0 : vector<64x255xf32>, vector<64x255xf32> -> vector<128x255xf32>
    %broadcast_in_dim3A_566 = arith.constant 0.000000e+00 : f32
    %broadcast_in_dim3A_567 = vector.broadcast %broadcast_in_dim3A_566 : f32 to vector<128x128xf32>
    %slice3A_568 = vector.extract_strided_slice %concatenate3A_565 {offsets = [0, 128], sizes = [128, 127], strides = [1, 1]} : vector<128x255xf32> to vector<128x127xf32>
    %concatenate3A_569 = tpu.concatenate %slice3A_568, %broadcast_in_dim3A_567 in 1 : vector<128x127xf32>, vector<128x128xf32> -> vector<128x255xf32>
    %concatenate3A_570 = tpu.concatenate %concatenate3A_565, %concatenate3A_569 in 0 : vector<128x255xf32>, vector<128x255xf32> -> vector<256x255xf32>
    %slice3A_571 = vector.extract_strided_slice %concatenate3A_570 {offsets = [0, 0], sizes = [254, 255], strides = [1, 1]} : vector<256x255xf32> to vector<254x255xf32>
    %broadcast_in_dim3A_572 = vector.shape_cast %slice3A_438 : vector<255xf32> to vector<1x255xf32>
    %sub3A_573 = vector.broadcast %broadcast_in_dim3A_572 : vector<1x255xf32> to vector<254x255xf32>
    %sub3A_574 = arith.subf %slice3A_502, %sub3A_573 : vector<254x255xf32>
    %mul3A_575 = arith.constant 144.269501 : f32
    %mul3A_576 = vector.broadcast %mul3A_575 : f32 to vector<254x255xf32>
    %mul3A_577 = arith.mulf %sub3A_574, %mul3A_576 : vector<254x255xf32>
    %add3A_578 = arith.constant 7.21347522 : f32
    %add3A_579 = vector.broadcast %add3A_578 : f32 to vector<254x255xf32>
    %add3A_580 = arith.addf %mul3A_577, %add3A_579 : vector<254x255xf32>
    %min3A_581 = arith.constant 0.000000e+00 : f32
    %min3A_582 = vector.broadcast %min3A_581 : f32 to vector<254x255xf32>
    %min3A_583 = arith.minimumf %add3A_580, %min3A_582 : vector<254x255xf32>
    %abs3A_584 = math.absf %add3A_580 : vector<254x255xf32>
    %neg3A_585 = arith.constant 0.000000e+00 : f32
    %neg3A_586 = vector.broadcast %neg3A_585 : f32 to vector<254x255xf32>
    %neg3A_587 = arith.subf %neg3A_586, %abs3A_584 : vector<254x255xf32>
    %exp23A_588 = math.exp2 %neg3A_587 : vector<254x255xf32>
    %add3A_589 = arith.constant 1.000000e+00 : f32
    %add3A_590 = vector.broadcast %add3A_589 : f32 to vector<254x255xf32>
    %add3A_591 = arith.addf %add3A_590, %exp23A_588 : vector<254x255xf32>
    %log3A_592 = math.log %add3A_591 : vector<254x255xf32>
    %log3A_593 = arith.constant 2.000000e+00 : f32
    %log3A_594 = math.log %log3A_593 : f32
    %div3A_595 = vector.broadcast %log3A_594 : f32 to vector<254x255xf32>
    %div3A_596 = arith.divf %log3A_592, %div3A_595 : vector<254x255xf32>
    %sub3A_597 = arith.subf %min3A_583, %div3A_596 : vector<254x255xf32>
    %convert_element_type3A_598 = arith.truncf %sub3A_597 : vector<254x255xf32> to vector<254x255xbf16>
    %convert_element_type3A_599 = arith.extf %convert_element_type3A_598 : vector<254x255xbf16> to vector<254x255xf32>
    %sub3A_600 = arith.subf %sub3A_597, %convert_element_type3A_599 : vector<254x255xf32>
    %convert_element_type3A_601 = arith.truncf %sub3A_600 : vector<254x255xf32> to vector<254x255xbf16>
    %dot_general3A_602 = arith.constant dense<0.000000e+00> : vector<255x254xf32>
    %dot_general3A_603 = tpu.matmul %convert_element_type3A_598, %convert_element_type3A_2, %dot_general3A_602 {dimension_numbers = #tpu.dot_dimension_numbers<[0], [0], [1], [1], [0, 1, 1, 1], [], []>, transpose_lhs_hint = false} : vector<254x255xbf16>, vector<254x254xbf16>, vector<255x254xf32> -> vector<255x254xf32>
    %dot_general3A_604 = arith.constant dense<0.000000e+00> : vector<255x254xf32>
    %dot_general3A_605 = tpu.matmul %convert_element_type3A_601, %convert_element_type3A_2, %dot_general3A_604 {dimension_numbers = #tpu.dot_dimension_numbers<[0], [0], [1], [1], [0, 1, 1, 1], [], []>, transpose_lhs_hint = false} : vector<254x255xbf16>, vector<254x254xbf16>, vector<255x254xf32> -> vector<255x254xf32>
    %add3A_606 = arith.addf %dot_general3A_603, %dot_general3A_605 : vector<255x254xf32>
    %exp23A_607 = math.exp2 %add3A_606 : vector<255x254xf32>
    %swap3A_608 = arith.constant 2 : index
    %swap3A_609 = arith.constant 0 : index
    %swap3A_610 = arith.constant 0 : index
    %swap3A_611 = vector.load %arg2[%swap3A_608, %swap3A_609, %swap3A_610] : memref<4x255x254xf32, #tpu.memory_space<vmem>>, vector<1x255x254xf32>
    %swap3A_612 = vector.shape_cast %swap3A_611 : vector<1x255x254xf32> to vector<255x254xf32>
    %swap3A_613 = vector.shape_cast %exp23A_607 : vector<255x254xf32> to vector<1x255x254xf32>
    tpu.vector_store %arg2[%swap3A_608, %swap3A_609, %swap3A_610], %swap3A_613 {strides = array<i32>} : memref<4x255x254xf32, #tpu.memory_space<vmem>>, vector<1x255x254xf32>,
    %broadcast_in_dim3A_614 = vector.shape_cast %slice3A_439 : vector<255xf32> to vector<1x255xf32>
    %sub3A_615 = vector.broadcast %broadcast_in_dim3A_614 : vector<1x255xf32> to vector<254x255xf32>
    %sub3A_616 = arith.subf %slice3A_571, %sub3A_615 : vector<254x255xf32>
    %mul3A_617 = arith.constant 144.269501 : f32
    %mul3A_618 = vector.broadcast %mul3A_617 : f32 to vector<254x255xf32>
    %mul3A_619 = arith.mulf %sub3A_616, %mul3A_618 : vector<254x255xf32>
    %add3A_620 = arith.constant 7.21347522 : f32
    %add3A_621 = vector.broadcast %add3A_620 : f32 to vector<254x255xf32>
    %add3A_622 = arith.addf %mul3A_619, %add3A_621 : vector<254x255xf32>
    %min3A_623 = arith.constant 0.000000e+00 : f32
    %min3A_624 = vector.broadcast %min3A_623 : f32 to vector<254x255xf32>
    %min3A_625 = arith.minimumf %add3A_622, %min3A_624 : vector<254x255xf32>
    %abs3A_626 = math.absf %add3A_622 : vector<254x255xf32>
    %neg3A_627 = arith.constant 0.000000e+00 : f32
    %neg3A_628 = vector.broadcast %neg3A_627 : f32 to vector<254x255xf32>
    %neg3A_629 = arith.subf %neg3A_628, %abs3A_626 : vector<254x255xf32>
    %exp23A_630 = math.exp2 %neg3A_629 : vector<254x255xf32>
    %add3A_631 = arith.constant 1.000000e+00 : f32
    %add3A_632 = vector.broadcast %add3A_631 : f32 to vector<254x255xf32>
    %add3A_633 = arith.addf %add3A_632, %exp23A_630 : vector<254x255xf32>
    %log3A_634 = math.log %add3A_633 : vector<254x255xf32>
    %log3A_635 = arith.constant 2.000000e+00 : f32
    %log3A_636 = math.log %log3A_635 : f32
    %div3A_637 = vector.broadcast %log3A_636 : f32 to vector<254x255xf32>
    %div3A_638 = arith.divf %log3A_634, %div3A_637 : vector<254x255xf32>
    %sub3A_639 = arith.subf %min3A_625, %div3A_638 : vector<254x255xf32>
    %convert_element_type3A_640 = arith.truncf %sub3A_639 : vector<254x255xf32> to vector<254x255xbf16>
    %convert_element_type3A_641 = arith.extf %convert_element_type3A_640 : vector<254x255xbf16> to vector<254x255xf32>
    %sub3A_642 = arith.subf %sub3A_639, %convert_element_type3A_641 : vector<254x255xf32>
    %convert_element_type3A_643 = arith.truncf %sub3A_642 : vector<254x255xf32> to vector<254x255xbf16>
    %dot_general3A_644 = arith.constant dense<0.000000e+00> : vector<255x254xf32>
    %dot_general3A_645 = tpu.matmul %convert_element_type3A_640, %convert_element_type3A_2, %dot_general3A_644 {dimension_numbers = #tpu.dot_dimension_numbers<[0], [0], [1], [1], [0, 1, 1, 1], [], []>, transpose_lhs_hint = false} : vector<254x255xbf16>, vector<254x254xbf16>, vector<255x254xf32> -> vector<255x254xf32>
    %dot_general3A_646 = arith.constant dense<0.000000e+00> : vector<255x254xf32>
    %dot_general3A_647 = tpu.matmul %convert_element_type3A_643, %convert_element_type3A_2, %dot_general3A_646 {dimension_numbers = #tpu.dot_dimension_numbers<[0], [0], [1], [1], [0, 1, 1, 1], [], []>, transpose_lhs_hint = false} : vector<254x255xbf16>, vector<254x254xbf16>, vector<255x254xf32> -> vector<255x254xf32>
    %add3A_648 = arith.addf %dot_general3A_645, %dot_general3A_647 : vector<255x254xf32>
    %exp23A_649 = math.exp2 %add3A_648 : vector<255x254xf32>
    %swap3A_650 = arith.constant 2 : index
    %swap3A_651 = arith.constant 0 : index
    %swap3A_652 = arith.constant 0 : index
    %swap3A_653 = vector.load %arg3[%swap3A_650, %swap3A_651, %swap3A_652] : memref<4x255x254xf32, #tpu.memory_space<vmem>>, vector<1x255x254xf32>
    %swap3A_654 = vector.shape_cast %swap3A_653 : vector<1x255x254xf32> to vector<255x254xf32>
    %swap3A_655 = vector.shape_cast %exp23A_649 : vector<255x254xf32> to vector<1x255x254xf32>
    tpu.vector_store %arg3[%swap3A_650, %swap3A_651, %swap3A_652], %swap3A_655 {strides = array<i32>} : memref<4x255x254xf32, #tpu.memory_space<vmem>>, vector<1x255x254xf32>,
    %get3A_656 = arith.constant 3 : index
    %get3A_657 = arith.constant 0 : index
    %get3A_658 = arith.constant 0 : index
    %get3A_659 = vector.load %arg1[%get3A_656, %get3A_657, %get3A_658] : memref<4x1x256xf32, #tpu.memory_space<vmem>>, vector<1x1x256xf32>
    %get3A_660 = vector.shape_cast %get3A_659 : vector<1x1x256xf32> to vector<256xf32>
    %slice3A_661 = vector.extract_strided_slice %get3A_660 {offsets = [0], sizes = [255], strides = [1]} : vector<256xf32> to vector<255xf32>
    %slice3A_662 = vector.extract_strided_slice %get3A_660 {offsets = [1], sizes = [255], strides = [1]} : vector<256xf32> to vector<255xf32>
    %broadcast_in_dim3A_663 = vector.shape_cast %slice3A_661 : vector<255xf32> to vector<1x255xf32>
    %broadcast_in_dim3A_664 = vector.shape_cast %slice3A_661 : vector<255xf32> to vector<1x255xf32>
    %broadcast_in_dim3A_665 = arith.constant 0.000000e+00 : f32
    %broadcast_in_dim3A_666 = vector.broadcast %broadcast_in_dim3A_665 : f32 to vector<1x1xf32>
    %slice3A_667 = vector.extract_strided_slice %broadcast_in_dim3A_664 {offsets = [0, 0], sizes = [1, 254], strides = [1, 1]} : vector<1x255xf32> to vector<1x254xf32>
    %concatenate3A_668 = tpu.concatenate %broadcast_in_dim3A_666, %slice3A_667 in 1 : vector<1x1xf32>, vector<1x254xf32> -> vector<1x255xf32>
    %broadcast_in_dim3A_669 = vector.shape_cast %slice3A_661 : vector<255xf32> to vector<1x255xf32>
    %broadcast_in_dim3A_670 = arith.constant 0.000000e+00 : f32
    %broadcast_in_dim3A_671 = vector.broadcast %broadcast_in_dim3A_670 : f32 to vector<1x2xf32>
    %slice3A_672 = vector.extract_strided_slice %broadcast_in_dim3A_669 {offsets = [0, 0], sizes = [1, 253], strides = [1, 1]} : vector<1x255xf32> to vector<1x253xf32>
    %concatenate3A_673 = tpu.concatenate %broadcast_in_dim3A_671, %slice3A_672 in 1 : vector<1x2xf32>, vector<1x253xf32> -> vector<1x255xf32>
    %broadcast_in_dim3A_674 = vector.shape_cast %slice3A_661 : vector<255xf32> to vector<1x255xf32>
    %broadcast_in_dim3A_675 = arith.constant 0.000000e+00 : f32
    %broadcast_in_dim3A_676 = vector.broadcast %broadcast_in_dim3A_675 : f32 to vector<1x3xf32>
    %slice3A_677 = vector.extract_strided_slice %broadcast_in_dim3A_674 {offsets = [0, 0], sizes = [1, 252], strides = [1, 1]} : vector<1x255xf32> to vector<1x252xf32>
    %concatenate3A_678 = tpu.concatenate %broadcast_in_dim3A_676, %slice3A_677 in 1 : vector<1x3xf32>, vector<1x252xf32> -> vector<1x255xf32>
    %broadcast_in_dim3A_679 = vector.shape_cast %slice3A_661 : vector<255xf32> to vector<1x255xf32>
    %broadcast_in_dim3A_680 = arith.constant 0.000000e+00 : f32
    %broadcast_in_dim3A_681 = vector.broadcast %broadcast_in_dim3A_680 : f32 to vector<1x4xf32>
    %slice3A_682 = vector.extract_strided_slice %broadcast_in_dim3A_679 {offsets = [0, 0], sizes = [1, 251], strides = [1, 1]} : vector<1x255xf32> to vector<1x251xf32>
    %concatenate3A_683 = tpu.concatenate %broadcast_in_dim3A_681, %slice3A_682 in 1 : vector<1x4xf32>, vector<1x251xf32> -> vector<1x255xf32>
    %broadcast_in_dim3A_684 = vector.shape_cast %slice3A_661 : vector<255xf32> to vector<1x255xf32>
    %broadcast_in_dim3A_685 = arith.constant 0.000000e+00 : f32
    %broadcast_in_dim3A_686 = vector.broadcast %broadcast_in_dim3A_685 : f32 to vector<1x5xf32>
    %slice3A_687 = vector.extract_strided_slice %broadcast_in_dim3A_684 {offsets = [0, 0], sizes = [1, 250], strides = [1, 1]} : vector<1x255xf32> to vector<1x250xf32>
    %concatenate3A_688 = tpu.concatenate %broadcast_in_dim3A_686, %slice3A_687 in 1 : vector<1x5xf32>, vector<1x250xf32> -> vector<1x255xf32>
    %broadcast_in_dim3A_689 = vector.shape_cast %slice3A_661 : vector<255xf32> to vector<1x255xf32>
    %broadcast_in_dim3A_690 = arith.constant 0.000000e+00 : f32
    %broadcast_in_dim3A_691 = vector.broadcast %broadcast_in_dim3A_690 : f32 to vector<1x6xf32>
    %slice3A_692 = vector.extract_strided_slice %broadcast_in_dim3A_689 {offsets = [0, 0], sizes = [1, 249], strides = [1, 1]} : vector<1x255xf32> to vector<1x249xf32>
    %concatenate3A_693 = tpu.concatenate %broadcast_in_dim3A_691, %slice3A_692 in 1 : vector<1x6xf32>, vector<1x249xf32> -> vector<1x255xf32>
    %broadcast_in_dim3A_694 = vector.shape_cast %slice3A_661 : vector<255xf32> to vector<1x255xf32>
    %broadcast_in_dim3A_695 = arith.constant 0.000000e+00 : f32
    %broadcast_in_dim3A_696 = vector.broadcast %broadcast_in_dim3A_695 : f32 to vector<1x7xf32>
    %slice3A_697 = vector.extract_strided_slice %broadcast_in_dim3A_694 {offsets = [0, 0], sizes = [1, 248], strides = [1, 1]} : vector<1x255xf32> to vector<1x248xf32>
    %concatenate3A_698 = tpu.concatenate %broadcast_in_dim3A_696, %slice3A_697 in 1 : vector<1x7xf32>, vector<1x248xf32> -> vector<1x255xf32>
    %concatenate3A_699 = tpu.concatenate %broadcast_in_dim3A_663, %concatenate3A_668, %concatenate3A_673, %concatenate3A_678, %concatenate3A_683, %concatenate3A_688, %concatenate3A_693, %concatenate3A_698 in 0 : vector<1x255xf32>, vector<1x255xf32>, vector<1x255xf32>, vector<1x255xf32>, vector<1x255xf32>, vector<1x255xf32>, vector<1x255xf32>, vector<1x255xf32> -> vector<8x255xf32>
    %broadcast_in_dim3A_700 = arith.constant 0.000000e+00 : f32
    %broadcast_in_dim3A_701 = vector.broadcast %broadcast_in_dim3A_700 : f32 to vector<8x8xf32>
    %slice3A_702 = vector.extract_strided_slice %concatenate3A_699 {offsets = [0, 0], sizes = [8, 247], strides = [1, 1]} : vector<8x255xf32> to vector<8x247xf32>
    %concatenate3A_703 = tpu.concatenate %broadcast_in_dim3A_701, %slice3A_702 in 1 : vector<8x8xf32>, vector<8x247xf32> -> vector<8x255xf32>
    %concatenate3A_704 = tpu.concatenate %concatenate3A_699, %concatenate3A_703 in 0 : vector<8x255xf32>, vector<8x255xf32> -> vector<16x255xf32>
    %broadcast_in_dim3A_705 = arith.constant 0.000000e+00 : f32
    %broadcast_in_dim3A_706 = vector.broadcast %broadcast_in_dim3A_705 : f32 to vector<16x16xf32>
    %slice3A_707 = vector.extract_strided_slice %concatenate3A_704 {offsets = [0, 0], sizes = [16, 239], strides = [1, 1]} : vector<16x255xf32> to vector<16x239xf32>
    %concatenate3A_708 = tpu.concatenate %broadcast_in_dim3A_706, %slice3A_707 in 1 : vector<16x16xf32>, vector<16x239xf32> -> vector<16x255xf32>
    %concatenate3A_709 = tpu.concatenate %concatenate3A_704, %concatenate3A_708 in 0 : vector<16x255xf32>, vector<16x255xf32> -> vector<32x255xf32>
    %broadcast_in_dim3A_710 = arith.constant 0.000000e+00 : f32
    %broadcast_in_dim3A_711 = vector.broadcast %broadcast_in_dim3A_710 : f32 to vector<32x32xf32>
    %slice3A_712 = vector.extract_strided_slice %concatenate3A_709 {offsets = [0, 0], sizes = [32, 223], strides = [1, 1]} : vector<32x255xf32> to vector<32x223xf32>
    %concatenate3A_713 = tpu.concatenate %broadcast_in_dim3A_711, %slice3A_712 in 1 : vector<32x32xf32>, vector<32x223xf32> -> vector<32x255xf32>
    %concatenate3A_714 = tpu.concatenate %concatenate3A_709, %concatenate3A_713 in 0 : vector<32x255xf32>, vector<32x255xf32> -> vector<64x255xf32>
    %broadcast_in_dim3A_715 = arith.constant 0.000000e+00 : f32
    %broadcast_in_dim3A_716 = vector.broadcast %broadcast_in_dim3A_715 : f32 to vector<64x64xf32>
    %slice3A_717 = vector.extract_strided_slice %concatenate3A_714 {offsets = [0, 0], sizes = [64, 191], strides = [1, 1]} : vector<64x255xf32> to vector<64x191xf32>
    %concatenate3A_718 = tpu.concatenate %broadcast_in_dim3A_716, %slice3A_717 in 1 : vector<64x64xf32>, vector<64x191xf32> -> vector<64x255xf32>
    %concatenate3A_719 = tpu.concatenate %concatenate3A_714, %concatenate3A_718 in 0 : vector<64x255xf32>, vector<64x255xf32> -> vector<128x255xf32>
    %broadcast_in_dim3A_720 = arith.constant 0.000000e+00 : f32
    %broadcast_in_dim3A_721 = vector.broadcast %broadcast_in_dim3A_720 : f32 to vector<128x128xf32>
    %slice3A_722 = vector.extract_strided_slice %concatenate3A_719 {offsets = [0, 0], sizes = [128, 127], strides = [1, 1]} : vector<128x255xf32> to vector<128x127xf32>
    %concatenate3A_723 = tpu.concatenate %broadcast_in_dim3A_721, %slice3A_722 in 1 : vector<128x128xf32>, vector<128x127xf32> -> vector<128x255xf32>
    %concatenate3A_724 = tpu.concatenate %concatenate3A_719, %concatenate3A_723 in 0 : vector<128x255xf32>, vector<128x255xf32> -> vector<256x255xf32>
    %slice3A_725 = vector.extract_strided_slice %concatenate3A_724 {offsets = [0, 0], sizes = [254, 255], strides = [1, 1]} : vector<256x255xf32> to vector<254x255xf32>
    %broadcast_in_dim3A_726 = vector.shape_cast %slice3A_662 : vector<255xf32> to vector<1x255xf32>
    %broadcast_in_dim3A_727 = arith.constant 0.000000e+00 : f32
    %broadcast_in_dim3A_728 = vector.broadcast %broadcast_in_dim3A_727 : f32 to vector<1x1xf32>
    %slice3A_729 = vector.extract_strided_slice %broadcast_in_dim3A_726 {offsets = [0, 1], sizes = [1, 254], strides = [1, 1]} : vector<1x255xf32> to vector<1x254xf32>
    %concatenate3A_730 = tpu.concatenate %slice3A_729, %broadcast_in_dim3A_728 in 1 : vector<1x254xf32>, vector<1x1xf32> -> vector<1x255xf32>
    %squeeze3A_731 = vector.shape_cast %concatenate3A_730 : vector<1x255xf32> to vector<255xf32>
    %broadcast_in_dim3A_732 = vector.shape_cast %squeeze3A_731 : vector<255xf32> to vector<1x255xf32>
    %broadcast_in_dim3A_733 = vector.shape_cast %squeeze3A_731 : vector<255xf32> to vector<1x255xf32>
    %broadcast_in_dim3A_734 = arith.constant 0.000000e+00 : f32
    %broadcast_in_dim3A_735 = vector.broadcast %broadcast_in_dim3A_734 : f32 to vector<1x1xf32>
    %slice3A_736 = vector.extract_strided_slice %broadcast_in_dim3A_733 {offsets = [0, 1], sizes = [1, 254], strides = [1, 1]} : vector<1x255xf32> to vector<1x254xf32>
    %concatenate3A_737 = tpu.concatenate %slice3A_736, %broadcast_in_dim3A_735 in 1 : vector<1x254xf32>, vector<1x1xf32> -> vector<1x255xf32>
    %broadcast_in_dim3A_738 = vector.shape_cast %squeeze3A_731 : vector<255xf32> to vector<1x255xf32>
    %broadcast_in_dim3A_739 = arith.constant 0.000000e+00 : f32
    %broadcast_in_dim3A_740 = vector.broadcast %broadcast_in_dim3A_739 : f32 to vector<1x2xf32>
    %slice3A_741 = vector.extract_strided_slice %broadcast_in_dim3A_738 {offsets = [0, 2], sizes = [1, 253], strides = [1, 1]} : vector<1x255xf32> to vector<1x253xf32>
    %concatenate3A_742 = tpu.concatenate %slice3A_741, %broadcast_in_dim3A_740 in 1 : vector<1x253xf32>, vector<1x2xf32> -> vector<1x255xf32>
    %broadcast_in_dim3A_743 = vector.shape_cast %squeeze3A_731 : vector<255xf32> to vector<1x255xf32>
    %broadcast_in_dim3A_744 = arith.constant 0.000000e+00 : f32
    %broadcast_in_dim3A_745 = vector.broadcast %broadcast_in_dim3A_744 : f32 to vector<1x3xf32>
    %slice3A_746 = vector.extract_strided_slice %broadcast_in_dim3A_743 {offsets = [0, 3], sizes = [1, 252], strides = [1, 1]} : vector<1x255xf32> to vector<1x252xf32>
    %concatenate3A_747 = tpu.concatenate %slice3A_746, %broadcast_in_dim3A_745 in 1 : vector<1x252xf32>, vector<1x3xf32> -> vector<1x255xf32>
    %broadcast_in_dim3A_748 = vector.shape_cast %squeeze3A_731 : vector<255xf32> to vector<1x255xf32>
    %broadcast_in_dim3A_749 = arith.constant 0.000000e+00 : f32
    %broadcast_in_dim3A_750 = vector.broadcast %broadcast_in_dim3A_749 : f32 to vector<1x4xf32>
    %slice3A_751 = vector.extract_strided_slice %broadcast_in_dim3A_748 {offsets = [0, 4], sizes = [1, 251], strides = [1, 1]} : vector<1x255xf32> to vector<1x251xf32>
    %concatenate3A_752 = tpu.concatenate %slice3A_751, %broadcast_in_dim3A_750 in 1 : vector<1x251xf32>, vector<1x4xf32> -> vector<1x255xf32>
    %broadcast_in_dim3A_753 = vector.shape_cast %squeeze3A_731 : vector<255xf32> to vector<1x255xf32>
    %broadcast_in_dim3A_754 = arith.constant 0.000000e+00 : f32
    %broadcast_in_dim3A_755 = vector.broadcast %broadcast_in_dim3A_754 : f32 to vector<1x5xf32>
    %slice3A_756 = vector.extract_strided_slice %broadcast_in_dim3A_753 {offsets = [0, 5], sizes = [1, 250], strides = [1, 1]} : vector<1x255xf32> to vector<1x250xf32>
    %concatenate3A_757 = tpu.concatenate %slice3A_756, %broadcast_in_dim3A_755 in 1 : vector<1x250xf32>, vector<1x5xf32> -> vector<1x255xf32>
    %broadcast_in_dim3A_758 = vector.shape_cast %squeeze3A_731 : vector<255xf32> to vector<1x255xf32>
    %broadcast_in_dim3A_759 = arith.constant 0.000000e+00 : f32
    %broadcast_in_dim3A_760 = vector.broadcast %broadcast_in_dim3A_759 : f32 to vector<1x6xf32>
    %slice3A_761 = vector.extract_strided_slice %broadcast_in_dim3A_758 {offsets = [0, 6], sizes = [1, 249], strides = [1, 1]} : vector<1x255xf32> to vector<1x249xf32>
    %concatenate3A_762 = tpu.concatenate %slice3A_761, %broadcast_in_dim3A_760 in 1 : vector<1x249xf32>, vector<1x6xf32> -> vector<1x255xf32>
    %broadcast_in_dim3A_763 = vector.shape_cast %squeeze3A_731 : vector<255xf32> to vector<1x255xf32>
    %broadcast_in_dim3A_764 = arith.constant 0.000000e+00 : f32
    %broadcast_in_dim3A_765 = vector.broadcast %broadcast_in_dim3A_764 : f32 to vector<1x7xf32>
    %slice3A_766 = vector.extract_strided_slice %broadcast_in_dim3A_763 {offsets = [0, 7], sizes = [1, 248], strides = [1, 1]} : vector<1x255xf32> to vector<1x248xf32>
    %concatenate3A_767 = tpu.concatenate %slice3A_766, %broadcast_in_dim3A_765 in 1 : vector<1x248xf32>, vector<1x7xf32> -> vector<1x255xf32>
    %concatenate3A_768 = tpu.concatenate %broadcast_in_dim3A_732, %concatenate3A_737, %concatenate3A_742, %concatenate3A_747, %concatenate3A_752, %concatenate3A_757, %concatenate3A_762, %concatenate3A_767 in 0 : vector<1x255xf32>, vector<1x255xf32>, vector<1x255xf32>, vector<1x255xf32>, vector<1x255xf32>, vector<1x255xf32>, vector<1x255xf32>, vector<1x255xf32> -> vector<8x255xf32>
    %broadcast_in_dim3A_769 = arith.constant 0.000000e+00 : f32
    %broadcast_in_dim3A_770 = vector.broadcast %broadcast_in_dim3A_769 : f32 to vector<8x8xf32>
    %slice3A_771 = vector.extract_strided_slice %concatenate3A_768 {offsets = [0, 8], sizes = [8, 247], strides = [1, 1]} : vector<8x255xf32> to vector<8x247xf32>
    %concatenate3A_772 = tpu.concatenate %slice3A_771, %broadcast_in_dim3A_770 in 1 : vector<8x247xf32>, vector<8x8xf32> -> vector<8x255xf32>
    %concatenate3A_773 = tpu.concatenate %concatenate3A_768, %concatenate3A_772 in 0 : vector<8x255xf32>, vector<8x255xf32> -> vector<16x255xf32>
    %broadcast_in_dim3A_774 = arith.constant 0.000000e+00 : f32
    %broadcast_in_dim3A_775 = vector.broadcast %broadcast_in_dim3A_774 : f32 to vector<16x16xf32>
    %slice3A_776 = vector.extract_strided_slice %concatenate3A_773 {offsets = [0, 16], sizes = [16, 239], strides = [1, 1]} : vector<16x255xf32> to vector<16x239xf32>
    %concatenate3A_777 = tpu.concatenate %slice3A_776, %broadcast_in_dim3A_775 in 1 : vector<16x239xf32>, vector<16x16xf32> -> vector<16x255xf32>
    %concatenate3A_778 = tpu.concatenate %concatenate3A_773, %concatenate3A_777 in 0 : vector<16x255xf32>, vector<16x255xf32> -> vector<32x255xf32>
    %broadcast_in_dim3A_779 = arith.constant 0.000000e+00 : f32
    %broadcast_in_dim3A_780 = vector.broadcast %broadcast_in_dim3A_779 : f32 to vector<32x32xf32>
    %slice3A_781 = vector.extract_strided_slice %concatenate3A_778 {offsets = [0, 32], sizes = [32, 223], strides = [1, 1]} : vector<32x255xf32> to vector<32x223xf32>
    %concatenate3A_782 = tpu.concatenate %slice3A_781, %broadcast_in_dim3A_780 in 1 : vector<32x223xf32>, vector<32x32xf32> -> vector<32x255xf32>
    %concatenate3A_783 = tpu.concatenate %concatenate3A_778, %concatenate3A_782 in 0 : vector<32x255xf32>, vector<32x255xf32> -> vector<64x255xf32>
    %broadcast_in_dim3A_784 = arith.constant 0.000000e+00 : f32
    %broadcast_in_dim3A_785 = vector.broadcast %broadcast_in_dim3A_784 : f32 to vector<64x64xf32>
    %slice3A_786 = vector.extract_strided_slice %concatenate3A_783 {offsets = [0, 64], sizes = [64, 191], strides = [1, 1]} : vector<64x255xf32> to vector<64x191xf32>
    %concatenate3A_787 = tpu.concatenate %slice3A_786, %broadcast_in_dim3A_785 in 1 : vector<64x191xf32>, vector<64x64xf32> -> vector<64x255xf32>
    %concatenate3A_788 = tpu.concatenate %concatenate3A_783, %concatenate3A_787 in 0 : vector<64x255xf32>, vector<64x255xf32> -> vector<128x255xf32>
    %broadcast_in_dim3A_789 = arith.constant 0.000000e+00 : f32
    %broadcast_in_dim3A_790 = vector.broadcast %broadcast_in_dim3A_789 : f32 to vector<128x128xf32>
    %slice3A_791 = vector.extract_strided_slice %concatenate3A_788 {offsets = [0, 128], sizes = [128, 127], strides = [1, 1]} : vector<128x255xf32> to vector<128x127xf32>
    %concatenate3A_792 = tpu.concatenate %slice3A_791, %broadcast_in_dim3A_790 in 1 : vector<128x127xf32>, vector<128x128xf32> -> vector<128x255xf32>
    %concatenate3A_793 = tpu.concatenate %concatenate3A_788, %concatenate3A_792 in 0 : vector<128x255xf32>, vector<128x255xf32> -> vector<256x255xf32>
    %slice3A_794 = vector.extract_strided_slice %concatenate3A_793 {offsets = [0, 0], sizes = [254, 255], strides = [1, 1]} : vector<256x255xf32> to vector<254x255xf32>
    %broadcast_in_dim3A_795 = vector.shape_cast %slice3A_661 : vector<255xf32> to vector<1x255xf32>
    %sub3A_796 = vector.broadcast %broadcast_in_dim3A_795 : vector<1x255xf32> to vector<254x255xf32>
    %sub3A_797 = arith.subf %slice3A_725, %sub3A_796 : vector<254x255xf32>
    %mul3A_798 = arith.constant 144.269501 : f32
    %mul3A_799 = vector.broadcast %mul3A_798 : f32 to vector<254x255xf32>
    %mul3A_800 = arith.mulf %sub3A_797, %mul3A_799 : vector<254x255xf32>
    %add3A_801 = arith.constant 7.21347522 : f32
    %add3A_802 = vector.broadcast %add3A_801 : f32 to vector<254x255xf32>
    %add3A_803 = arith.addf %mul3A_800, %add3A_802 : vector<254x255xf32>
    %min3A_804 = arith.constant 0.000000e+00 : f32
    %min3A_805 = vector.broadcast %min3A_804 : f32 to vector<254x255xf32>
    %min3A_806 = arith.minimumf %add3A_803, %min3A_805 : vector<254x255xf32>
    %abs3A_807 = math.absf %add3A_803 : vector<254x255xf32>
    %neg3A_808 = arith.constant 0.000000e+00 : f32
    %neg3A_809 = vector.broadcast %neg3A_808 : f32 to vector<254x255xf32>
    %neg3A_810 = arith.subf %neg3A_809, %abs3A_807 : vector<254x255xf32>
    %exp23A_811 = math.exp2 %neg3A_810 : vector<254x255xf32>
    %add3A_812 = arith.constant 1.000000e+00 : f32
    %add3A_813 = vector.broadcast %add3A_812 : f32 to vector<254x255xf32>
    %add3A_814 = arith.addf %add3A_813, %exp23A_811 : vector<254x255xf32>
    %log3A_815 = math.log %add3A_814 : vector<254x255xf32>
    %log3A_816 = arith.constant 2.000000e+00 : f32
    %log3A_817 = math.log %log3A_816 : f32
    %div3A_818 = vector.broadcast %log3A_817 : f32 to vector<254x255xf32>
    %div3A_819 = arith.divf %log3A_815, %div3A_818 : vector<254x255xf32>
    %sub3A_820 = arith.subf %min3A_806, %div3A_819 : vector<254x255xf32>
    %convert_element_type3A_821 = arith.truncf %sub3A_820 : vector<254x255xf32> to vector<254x255xbf16>
    %convert_element_type3A_822 = arith.extf %convert_element_type3A_821 : vector<254x255xbf16> to vector<254x255xf32>
    %sub3A_823 = arith.subf %sub3A_820, %convert_element_type3A_822 : vector<254x255xf32>
    %convert_element_type3A_824 = arith.truncf %sub3A_823 : vector<254x255xf32> to vector<254x255xbf16>
    %dot_general3A_825 = arith.constant dense<0.000000e+00> : vector<255x254xf32>
    %dot_general3A_826 = tpu.matmul %convert_element_type3A_821, %convert_element_type3A_2, %dot_general3A_825 {dimension_numbers = #tpu.dot_dimension_numbers<[0], [0], [1], [1], [0, 1, 1, 1], [], []>, transpose_lhs_hint = false} : vector<254x255xbf16>, vector<254x254xbf16>, vector<255x254xf32> -> vector<255x254xf32>
    %dot_general3A_827 = arith.constant dense<0.000000e+00> : vector<255x254xf32>
    %dot_general3A_828 = tpu.matmul %convert_element_type3A_824, %convert_element_type3A_2, %dot_general3A_827 {dimension_numbers = #tpu.dot_dimension_numbers<[0], [0], [1], [1], [0, 1, 1, 1], [], []>, transpose_lhs_hint = false} : vector<254x255xbf16>, vector<254x254xbf16>, vector<255x254xf32> -> vector<255x254xf32>
    %add3A_829 = arith.addf %dot_general3A_826, %dot_general3A_828 : vector<255x254xf32>
    %exp23A_830 = math.exp2 %add3A_829 : vector<255x254xf32>
    %swap3A_831 = arith.constant 3 : index
    %swap3A_832 = arith.constant 0 : index
    %swap3A_833 = arith.constant 0 : index
    %swap3A_834 = vector.load %arg2[%swap3A_831, %swap3A_832, %swap3A_833] : memref<4x255x254xf32, #tpu.memory_space<vmem>>, vector<1x255x254xf32>
    %swap3A_835 = vector.shape_cast %swap3A_834 : vector<1x255x254xf32> to vector<255x254xf32>
    %swap3A_836 = vector.shape_cast %exp23A_830 : vector<255x254xf32> to vector<1x255x254xf32>
    tpu.vector_store %arg2[%swap3A_831, %swap3A_832, %swap3A_833], %swap3A_836 {strides = array<i32>} : memref<4x255x254xf32, #tpu.memory_space<vmem>>, vector<1x255x254xf32>,
    %broadcast_in_dim3A_837 = vector.shape_cast %slice3A_662 : vector<255xf32> to vector<1x255xf32>
    %sub3A_838 = vector.broadcast %broadcast_in_dim3A_837 : vector<1x255xf32> to vector<254x255xf32>
    %sub3A_839 = arith.subf %slice3A_794, %sub3A_838 : vector<254x255xf32>
    %mul3A_840 = arith.constant 144.269501 : f32
    %mul3A_841 = vector.broadcast %mul3A_840 : f32 to vector<254x255xf32>
    %mul3A_842 = arith.mulf %sub3A_839, %mul3A_841 : vector<254x255xf32>
    %add3A_843 = arith.constant 7.21347522 : f32
    %add3A_844 = vector.broadcast %add3A_843 : f32 to vector<254x255xf32>
    %add3A_845 = arith.addf %mul3A_842, %add3A_844 : vector<254x255xf32>
    %min3A_846 = arith.constant 0.000000e+00 : f32
    %min3A_847 = vector.broadcast %min3A_846 : f32 to vector<254x255xf32>
    %min3A_848 = arith.minimumf %add3A_845, %min3A_847 : vector<254x255xf32>
    %abs3A_849 = math.absf %add3A_845 : vector<254x255xf32>
    %neg3A_850 = arith.constant 0.000000e+00 : f32
    %neg3A_851 = vector.broadcast %neg3A_850 : f32 to vector<254x255xf32>
    %neg3A_852 = arith.subf %neg3A_851, %abs3A_849 : vector<254x255xf32>
    %exp23A_853 = math.exp2 %neg3A_852 : vector<254x255xf32>
    %add3A_854 = arith.constant 1.000000e+00 : f32
    %add3A_855 = vector.broadcast %add3A_854 : f32 to vector<254x255xf32>
    %add3A_856 = arith.addf %add3A_855, %exp23A_853 : vector<254x255xf32>
    %log3A_857 = math.log %add3A_856 : vector<254x255xf32>
    %log3A_858 = arith.constant 2.000000e+00 : f32
    %log3A_859 = math.log %log3A_858 : f32
    %div3A_860 = vector.broadcast %log3A_859 : f32 to vector<254x255xf32>
    %div3A_861 = arith.divf %log3A_857, %div3A_860 : vector<254x255xf32>
    %sub3A_862 = arith.subf %min3A_848, %div3A_861 : vector<254x255xf32>
    %convert_element_type3A_863 = arith.truncf %sub3A_862 : vector<254x255xf32> to vector<254x255xbf16>
    %convert_element_type3A_864 = arith.extf %convert_element_type3A_863 : vector<254x255xbf16> to vector<254x255xf32>
    %sub3A_865 = arith.subf %sub3A_862, %convert_element_type3A_864 : vector<254x255xf32>
    %convert_element_type3A_866 = arith.truncf %sub3A_865 : vector<254x255xf32> to vector<254x255xbf16>
    %dot_general3A_867 = arith.constant dense<0.000000e+00> : vector<255x254xf32>
    %dot_general3A_868 = tpu.matmul %convert_element_type3A_863, %convert_element_type3A_2, %dot_general3A_867 {dimension_numbers = #tpu.dot_dimension_numbers<[0], [0], [1], [1], [0, 1, 1, 1], [], []>, transpose_lhs_hint = false} : vector<254x255xbf16>, vector<254x254xbf16>, vector<255x254xf32> -> vector<255x254xf32>
    %dot_general3A_869 = arith.constant dense<0.000000e+00> : vector<255x254xf32>
    %dot_general3A_870 = tpu.matmul %convert_element_type3A_866, %convert_element_type3A_2, %dot_general3A_869 {dimension_numbers = #tpu.dot_dimension_numbers<[0], [0], [1], [1], [0, 1, 1, 1], [], []>, transpose_lhs_hint = false} : vector<254x255xbf16>, vector<254x254xbf16>, vector<255x254xf32> -> vector<255x254xf32>
    %add3A_871 = arith.addf %dot_general3A_868, %dot_general3A_870 : vector<255x254xf32>
    %exp23A_872 = math.exp2 %add3A_871 : vector<255x254xf32>
    %swap3A_873 = arith.constant 3 : index
    %swap3A_874 = arith.constant 0 : index
    %swap3A_875 = arith.constant 0 : index
    %swap3A_876 = vector.load %arg3[%swap3A_873, %swap3A_874, %swap3A_875] : memref<4x255x254xf32, #tpu.memory_space<vmem>>, vector<1x255x254xf32>
    %swap3A_877 = vector.shape_cast %swap3A_876 : vector<1x255x254xf32> to vector<255x254xf32>
    %swap3A_878 = vector.shape_cast %exp23A_872 : vector<255x254xf32> to vector<1x255x254xf32>
    tpu.vector_store %arg3[%swap3A_873, %swap3A_874, %swap3A_875], %swap3A_878 {strides = array<i32>} : memref<4x255x254xf32, #tpu.memory_space<vmem>>, vector<1x255x254xf32>,
    return
  }
  func.func @transform_0(%arg0: i32) -> (i32, i32, i32) {
    %c0_i32 = arith.constant 0 : i32
    %c0_i32_0 = arith.constant 0 : i32
    %c0_i32_1 = arith.constant 0 : i32
    return %arg0, %c0_i32, %c0_i32_0 : i32, i32, i32
  }
  func.func @transform_1(%arg0: i32) -> (i32, i32, i32) {
    %c0_i32 = arith.constant 0 : i32
    %c0_i32_0 = arith.constant 0 : i32
    %c0_i32_1 = arith.constant 0 : i32
    return %arg0, %c0_i32, %c0_i32_0 : i32, i32, i32
  }
  func.func @transform_2(%arg0: i32) -> (i32, i32, i32) {
    %c0_i32 = arith.constant 0 : i32
    %c0_i32_0 = arith.constant 0 : i32
    %c0_i32_1 = arith.constant 0 : i32
    return %arg0, %c0_i32, %c0_i32_0 : i32, i32, i32
  }
}

</mosaic_0001>

<sc_bundles>
// kernel: kernel.4.cloned.1.call-start
scs
__scs_entry_jumppad:
0x0: {  	(pc) =	sbr.rel $0x88, $3  }
0x1: {  	(tag) =	ssettag $0x0;
	lr =	simm.s32 $0x1  }
0x2: {  	[smem:$0x3F9F] =	sst lr;
	_ =	strace $0xD0000000  }
0x3: {  	_ = 	snop  }
0x4: {  	_ = 	snop  }
0x5: {  	_ = 	snop  }
0x6: {  	_ = 	snop  }
0x7: {  	_ = 	snop  }
__scs_overlays_trampoline_lowered:
0x8: {  	[smem:$0x3FAE] =	sst s0  }
0x9: {  	[smem:$0x3FAF] =	sst s1  }
0xa: {  	[smem:$0x3FB0] =	sst s2  }
0xb: {  	[smem:$0x3FB1] =	sst s3  }
0xc: {  	[smem:$0x3FB2] =	sst s4  }
0xd: {  	[smem:$0x3FB3] =	sst s5  }
0xe: {  	[smem:$0x3FB4] =	sst s6  }
0xf: {  	[smem:$0x3FB5] =	sst s7  }
0x10: {  	[smem:$0x3FB6] =	sst s8  }
0x11: {  	[smem:$0x3FB7] =	sst s9;
	s0 =	simm.s32 @!p0 $0x0  }
0x12: {  	s1 =	sld [smem:$0x3F9D];
	s0 =	simm.s32 @p0 $0x1  }
0x13: {  	[smem:$0x3FB8] =	sst s0;
	s0 =	simm.s32 @!p1 $0x0  }
0x14: {  	s2 =	sld [smem:$0x3F9C];
	s0 =	simm.s32 @p1 $0x1  }
0x15: {  	[smem:$0x3FB9] =	sst s0;
	s0 =	simm.s32 @!p2 $0x0  }
0x16: {  	s3 =	sld [smem:$0x3FDB];
	s0 =	simm.s32 @p2 $0x1  }
0x17: {  	s4 =	simm.s32 $0x1BF5;
	[smem:$0x3FBB] =	sst s0  }
0x18: {  	s0 =	sld [smem:$0x3F9E];
	_ =	swait.ge [sflag:s4], $0x0  }
0x19: {  	s7 =	sld [smem:$0x3F9F]  }
0x1a: {  	s8 =	sadd.s32 $0xFFFFE003, lr  }
0x1b: {  	s9 =	sadd.s32 $0xFFFFFEF7, lr;
	s5 =	simm.s32 $0xFFFFFFFF;
	p2 =	slt.u32 s8, $0xFFFFF086  }
0x1c: {  	p1 =	slt.u32 s9, $0xF7A;
	s5 =	simm.s32 @!p2 $0x0  }
0x1d: {  	s5 =	simm.s32 @p1 $0x1;
	p0 =	seq.s32 s7, s2  }
0x1e: {  	s7 =	smul.u32 @!p0 $0xF7A, s2;
	p2 =	seq.s32 @!p0 s5, $0x0  }
0x1f: {  	s9 =	smul.u32 $0xF7A, s1;
	s8 =	simm.s32 @!p0 $0x1BF5;
	p2 =	por !p2, p0  }
0x20: {  	[sflag:s8] =	ssyncset.s32 @!p0 $0xFFFFF086;
	s6 =	sadd.s32 @!p0 s3, s7;
	s7 =	simm.s32 @!p0 $0x108  }
0x21: {  	s3 =	sadd.s32 s3, s9;
	s6 =	sadd.s32 @!p0 $0x88, s6;
	s7 =	simm.s32 @p2 $0x1082  }
0x22: {  	[simem:s7], [sflag:s8] =	dma.local @!p0 [hbm:s6], $0xF7A  }
0x23: {  	s9 =	sor.u32 $0xD0000000, s2;
	s6 =	simm.s32 $0x108;
	_ =	swait.ge @!p0 [sflag:s8], $0x0  }
0x24: {  	s3 =	sadd.s32 $0x88, s3;
	s6 =	simm.s32 @!p1 $0x1082;
	[sflag:s4] =	ssyncset.s32 $0xFFFFF086  }
0x25: {  	[simem:s6], [sflag:s4] =	dma.local [hbm:s3], $0xF7A  }
0x26: {  	[smem:$0x3F9F] =	sst s1;
	(tag) =	ssettag s2;
	_ =	strace s9  }
0x27: {  	s1 =	sld [smem:$0x3FAF]  }
0x28: {  	s2 =	sld [smem:$0x3FB0]  }
0x29: {  	s4 =	sld [smem:$0x3FB2]  }
0x2a: {  	p0 =	seq.s32 s5, $0x0;
	s5 =	sld [smem:$0x3FB3]  }
0x2b: {  	s6 =	sld [smem:$0x3FB4]  }
0x2c: {  	s7 =	sld [smem:$0x3FB5]  }
0x2d: {  	s3 =	simm.s32 $0x108;
	s8 =	sld [smem:$0x3FB6]  }
0x2e: {  	s3 =	simm.s32 @!p0 $0x1082;
	s9 =	sld [smem:$0x3FB7]  }
0x2f: {  	lr =	sadd.s32 s0, s3;
	s0 =	sld [smem:$0x3FAE]  }
0x30: {  	s3 =	sld [smem:$0x3FB1]  }
0x31: {  	[smem:$0x3FBA] =	sst s10  }
0x32: {  	s10 =	sld [smem:$0x3FB8];
	_ =	sdelay $0x3  }
0x33: {  	p0 =	seq.s32 s10, $0x1;
	s10 =	sld [smem:$0x3FBA];
	_ =	sdelay $0x3  }
0x34: {  	[smem:$0x3FBA] =	sst s10  }
0x35: {  	s10 =	sld [smem:$0x3FB9];
	_ =	sdelay $0x3  }
0x36: {  	p1 =	seq.s32 s10, $0x1;
	s10 =	sld [smem:$0x3FBA];
	_ =	sdelay $0x3  }
0x37: {  	[smem:$0x3FBA] =	sst s10  }
0x38: {  	s10 =	sld [smem:$0x3FBB]  }
0x39: {  	_ = 	snop;
	(pc) =	sbr.ind lr, $3  }
0x3a: {  	_ = 	snop  }
0x3b: {  	_ = 	snop  }
0x3c: {  	p2 =	seq.s32 s10, $0x1;
	s10 =	sld [smem:$0x3FBA]  }
0x3d: {  	_ =	shalt  }
0x3e: {  	_ =	shalt  }
0x3f: {  	_ =	shalt  }
0x40: {  	_ =	shalt  }
0x41: {  	_ =	shalt  }
0x42: {  	_ =	shalt  }
0x43: {  	_ =	shalt  }
0x44: {  	_ =	shalt  }
0x45: {  	_ =	shalt  }
0x46: {  	_ =	shalt  }
0x47: {  	_ =	shalt  }
0x48: {  	_ =	shalt  }
0x49: {  	_ =	shalt  }
0x4a: {  	_ =	shalt  }
0x4b: {  	_ =	shalt  }
0x4c: {  	_ =	shalt  }
0x4d: {  	_ =	shalt  }
0x4e: {  	_ =	shalt  }
0x4f: {  	_ =	shalt  }
0x50: {  	_ =	shalt  }
0x51: {  	_ =	shalt  }
0x52: {  	_ =	shalt  }
0x53: {  	_ =	shalt  }
0x54: {  	_ =	shalt  }
0x55: {  	_ =	shalt  }
0x56: {  	_ =	shalt  }
0x57: {  	_ =	shalt  }
0x58: {  	_ =	shalt  }
0x59: {  	_ =	shalt  }
0x5a: {  	_ =	shalt  }
0x5b: {  	_ =	shalt  }
0x5c: {  	_ =	shalt  }
0x5d: {  	_ =	shalt  }
0x5e: {  	_ =	shalt  }
0x5f: {  	_ =	shalt  }
0x60: {  	_ =	shalt  }
0x61: {  	_ =	shalt  }
0x62: {  	_ =	shalt  }
0x63: {  	_ =	shalt  }
0x64: {  	_ =	shalt  }
0x65: {  	_ =	shalt  }
0x66: {  	_ =	shalt  }
0x67: {  	_ =	shalt  }
0x68: {  	_ =	shalt  }
0x69: {  	_ =	shalt  }
0x6a: {  	_ =	shalt  }
0x6b: {  	_ =	shalt  }
0x6c: {  	_ =	shalt  }
0x6d: {  	_ =	shalt  }
0x6e: {  	_ =	shalt  }
0x6f: {  	_ =	shalt  }
0x70: {  	_ =	shalt  }
0x71: {  	_ =	shalt  }
0x72: {  	_ =	shalt  }
0x73: {  	_ =	shalt  }
0x74: {  	_ =	shalt  }
0x75: {  	_ =	shalt  }
0x76: {  	_ =	shalt  }
0x77: {  	_ =	shalt  }
0x78: {  	_ =	shalt  }
0x79: {  	_ =	shalt  }
0x7a: {  	_ =	shalt  }
0x7b: {  	_ =	shalt  }
0x7c: {  	_ =	shalt  }
0x7d: {  	_ =	shalt  }
0x7e: {  	_ =	shalt  }
0x7f: {  	_ =	shalt  }
0x80: {  	_ =	shalt  }
0x81: {  	_ =	shalt  }
0x82: {  	_ =	shalt  }
0x83: {  	_ =	shalt  }
0x84: {  	_ =	shalt  }
0x85: {  	_ =	shalt  }
0x86: {  	_ =	shalt  }
0x87: {  	_ =	shalt  }
.Lfunc_end0:
.L_simem_size_0:
called_computation_lowered:
.L_overlay_start_0:
0x88: {  	s0 =	sld [smem:$0x3FD9]  }
0x89: {  	s1 =	sld [smem:$0x3FFE];
	_ =	sdelay $0x3  }
0x8a: {  	s0 =	sadd.s32 s1, s0  }
0x8b: {  	[smem:$0x3FC6] =	sst s0  }
0x8c: {  	_ = 	snop  }
0x8d: {  	s0 =	sld [smem:$0x3FD0];
	_ =	sdelay $0x1  }
0x8e: {  	s14 =	sld [smem:$0x3FC9]  }
0x8f: {  	s3 =	simm.s32 $0xA;
	s4 =	simm.s32 $0x10;
	s2 =	sld [smem:$0x3FC8]  }
0x90: {  	[smem:s4], [sflag:s3] =	dma.local [hbm:s0], $0x1  }
0x91: {  	_ =	swait.eq [sflag:s3], $0x1  }
0x92: {  	[sflag:s3] =	ssyncset.done $0x0  }
0x93: {  	[sflag:s3] =	ssyncadd.s32 $0xFFFFFFFF  }
0x94: {  	s15 =	sld [smem:$0x11];
	(tm) =	ssettm $0x1  }
0x95: {  	s16 =	sld [smem:$0x3FFB];
	_ =	sdelay $0x3  }
0x96: {  	_ =	strace s16  }
0x97: {  	s3 =	sld [smem:$0x3FFC];
	_ =	sdelay $0x3  }
0x98: {  	_ =	strace s3  }
0x99: {  	s3 =	sld [smem:$0x3FFD];
	_ =	sdelay $0x3  }
0x9a: {  	_ =	strace s3  }
0x9b: {  	_ =	strace $0x8FFFFFFF  }
0x9c: {  	s17 =	sld [smem:$0x3FDB];
	_ =	sdelay $0x1  }
0x9d: {  	s18 =	simm.s32 $_scs_section_size  }
0x9e: {  	s5 =	simm.s32 $_size__tile_overlayer_lowered;
	s6 =	simm.s32 $_tile_overlayer_lowered  }
0x9f: {  	s21 =	simm.s32 $0x1BFF;
	s20 =	sshll.u32 s6, $0x1;
	s3 =	sadd.s32 s18, s17  }
0xa0: {  	s7 =	simm.s32 $0x0;
	s19 =	sshll.u32 s5, $0x1;
	s5 =	sadd.s32 s20, s3  }
0xa1: {  	[timem:s7], [sflag:s21] =	dma.local [hbm:s5], s19  }
0xa2: {  	_ =	swait.ge [sflag:s21], s19  }
0xa3: {  	s4 =	ssub.s32 $0x0, s19;
	[sflag:s21] =	ssyncset.done $0x0  }
0xa4: {  	[sflag:s21] =	ssyncadd.s32 s4;
	_ =	sdelay $0x1  }
0xa5: {  	s22 =	simm.s32 $0x1B8B  }
0xa6: {  	_ =	swait.ge [sflag:s22], $0x1  }
0xa7: {  	[sflag:s22] =	ssyncset.done $0x0  }
0xa8: {  	s23 =	simm.s32 $0x1B8E;
	[sflag:s22] =	ssyncadd.s32 $0xFFFFFFFF  }
0xa9: {  	s24 =	simm.s32 $execute0_lowered;
	[smem:$0x3FD2] =	sst s23  }
0xaa: {  	s4 =	sshll.u32 s24, $0x1;
	_ =	strace $0x80000046;
	[dreg:$0x1] =	wrdreg $0xFFFFFFFF  }
0xab: {  	s25 =	simm.s32 $_size_execute0_lowered;
	s3 =	sadd.s32 s3, s4;
	[dreg:$0x0] =	wrdreg $0x0  }
0xac: {  	s4 =	sshll.u32 s25, $0x1;
	[dreg:$0x2] =	wrdreg s3  }
0xad: {  	[dreg:$0x3] =	wrdreg s4  }
0xae: {  	[dreg:$0x4] =	wrdreg $0xC0  }
0xaf: {  	_ =	task [dreg:s7], $0x5FFFF  }
0xb0: {  	[dreg:$0x1] =	wrdreg $0xFFFFFFFF  }
0xb1: {  	[dreg:$0x0] =	wrdreg $0x60  }
0xb2: {  	[dreg:$0x2] =	wrdreg s14  }
0xb3: {  	[dreg:$0x3] =	wrdreg s2  }
0xb4: {  	[dreg:$0x4] =	wrdreg s15  }
0xb5: {  	[dreg:$0x5] =	wrdreg $0x9  }
0xb6: {  	_ =	task.clear_ibuf [dreg:s7], $0x6FFFF;
	_ =	strace $0x90000046  }
0xb7: {  	s26 =	simm.s32 $0x9;
	_ =	strace $0x80000048  }
0xb8: {  	_ =	swait.ge [sflag:s26], $0x1  }
0xb9: {  	[sflag:s26] =	ssyncadd.s32 $0xFFFFFFFF  }
0xba: {  	_ =	strace $0x90000048  }
0xbb: {  	_ =	sfence  }
0xbc: {  	s28 =	sld [smem:$0x0];
	_ =	sdelay $0x1  }
0xbd: {  	s29 =	srdreg.scid  }
0xbe: {  	s30 =	sshll.u32 s29, $0xD;
	s31 =	sshrl.u32 s29, $0x2  }
0xbf: {  	s1 =	sand.u32 $0x1, s29;
	s2 =	sand.u32 $0x4000, s30;
	s0 =	sadd.s32 s31, s28  }
0xc0: {  	s1 =	sor.u32 s2, s1;
	s0 =	sshll.u32 s0, $0x11  }
0xc1: {  	s0 =	sor.u32 s0, s1  }
0xc2: {  	s0 =	sadd.s32 $0x8F2B, s0  }
0xc3: {  	[sflag:s0] =	ssyncadd.remote.s32 $0x1  }
0xc4: {  	_ =	sfence.sel $0xFFFF  }
0xc5: {  	[dreg:$0x0] =	wrdreg $0xFFFFFFFF;
	(pc) =	sbr.abs _section_cstart, $3  }
0xc6: {  	[dreg:$0x1] =	wrdreg $0xFFFFFFFF  }
0xc7: {  	_ =	task.clear_ibuf [dreg:s7], $0x2FFFF;
	_ =	strace $0x9FFFFFFF  }
0xc8: {  	(tm) =	ssettm $0x7FFFFFFF  }
0xc9: {  	_ =	shalt  }
tec
execute0_lowered:
.L_overlay_start_1:
0x0: {  	(tag) =	ssettag $0x1  }
0x1: {  	s0 =	rddreg [dreg:$0x0]  }
0x2: {  	s1 =	rddreg [dreg:$0x1]  }
0x3: {  	s2 =	rddreg [dreg:$0x2];
	s3 =	stileid.u32  }
0x4: {  	s4 =	rddreg [dreg:$0x3];
	s5 =	sshrl.u32 s3, $0x1  }
0x5: {  	s6 =	simm.s32 $0x0;
	s7 =	sshll.u32 s3, $0x7;
	s8 =	sshll.u32 s5, $0x4  }
0x6: {  	[smem:$0x7FF] =	sst s6;
	s7 =	sand.u32 $0x80, s7;
	s1 =	sadd.s32 s1, s8  }
0x7: {  	s28 =	simm.s32 $0x2;
	_ =	strace $0x80000047;
	s1 =	sadd.s32 s7, s1  }
0x8: {  	[tilespmem:s6], [sflag:$0x2] =	stream.linear.gather [hbm4b:s1+s6], $0x80, $0x38;
	[tilespmem:$0x100] =	vst v63  }
0x9: {  	_ =	swait.ge [sflag:s28], $0x80  }
0xa: {  	s29 =	simm.s32 $0x80;
	[sflag:s28] =	ssyncset.done $0x0  }
0xb: {  	s31 =	simm.s32 $0x1;
	s30 =	sshll.u32 s5, $0x8;
	[sflag:s28] =	ssyncadd.s32 $0xFFFFFF80  }
0xc: {  	[tilespmem:s29], [sflag:$0x1] =	stream.indirect.gather [hbm4b:s0+s29], $0x1, s6, s29, $0xb8;
	[tilespmem:$0x100] =	vst v63  }
0xd: {  	s0 =	sor.u32 s7, s30;
	_ =	swait.ge [sflag:s31], $0x80  }
0xe: {  	s0 =	sshrl.u32 s0, $0x3;
	[sflag:s31] =	ssyncset.done $0x0  }
0xf: {  	s0 =	sadd.s32 s2, s0;
	[sflag:s31] =	ssyncadd.s32 $0xFFFFFF80  }
0x10: {  	[hbm4b:s0+s6] =	stream.linear.scatter [tilespmem:s29], [sflag:$0x2], $0x80, $0x38;
	[tilespmem:$0x100] =	vst v63  }
0x11: {  	_ =	swait.ge [sflag:s28], $0x80  }
0x12: {  	[sflag:s28] =	ssyncset.done $0x0  }
0x13: {  	[sflag:s28] =	ssyncadd.s32 $0xFFFFFF80  }
0x14: {  	_ =	sfence.sel $0x180000  }
0x15: {  	[bflag:$0x0] =	sbarrier.arrive $0xFFFF  }
0x16: {  	p0 =	sne.s32 s3, $0x0;
	_ =	strace $0x90000047  }
0x17: {  	s0 =	sadd.s32 @!p0 $0x100000, s4;
	[bflag:$0x2] =	sbarrier.arrive $0xFFFF  }
0x18: {  	[sflag:s0] =	ssyncadd.tile.s32 @!p0 $0x1;
	_ =	shalt  }
.Lfunc_end2:
_tile_overlayer_lowered:
.L_overlay_start_2:
0x19: {  	(tag) =	ssettag $0x2  }
0x1a: {  	s0 =	rddreg [dreg:$0x0];
	s2 =	stileid.u32  }
0x1b: {  	s1 =	rddreg [dreg:$0x1];
	p0 =	sne.s32 s2, $0x0  }
0x1c: {  	s3 =	rddreg [dreg:$0x2];
	[bflag:$0x3] =	sbarrier.arrive $0xFFFF;
	s2 =	simm.s32 @!p0 $0x1C02  }
0x1d: {  	[timem:s3], [sflag:s2] =	dma.local @!p0 [hbm:s0], s1  }
0x1e: {  	s0 =	simm.s32 @!p0 $0x2  }
0x1f: {  	_ =	swait.ge @!p0 [sflag:s0], s1  }
0x20: {  	s1 =	ssub.s32 @!p0 $0x0, s1;
	[sflag:s0] =	ssyncset.done @!p0 $0x0  }
0x21: {  	[sflag:s0] =	ssyncadd.s32 @!p0 s1  }
0x22: {  	[bflag:$0x3] =	sbarrier.arrive $0xFFFF  }
0x23: {  	_ =	shalt  }

</sc_bundles>
